<compile_context>
chip_gen: v7x
topology: tpu7x:2x2x1
jax: 0.10.2.dev20260603
libtpu: 0.0.44.dev20260713+nightly
codegen_flags: <defaults>
</compile_context>

<pallas_src>
import functools

import jax
import jax.numpy as jnp
import numpy as np
from jax import lax
from jax.experimental import pallas as pl
from jax.experimental.pallas import tpu as pltpu
from jax.experimental.pallas import tpu_sc as plsc

B = 32
C = 768
H = 32
WD = 32
P = H * WD
NS = 1024
TEMP = 0.1
RPS = 4

_TRI = np.triu(np.ones((P, P), dtype=np.float32))

with jax.default_device(jax.local_devices(backend="cpu")[0]):
    _U = np.asarray(
        jax.random.uniform(jax.random.key(42), (B, NS), dtype=jnp.float32))


def _tc_body(fm_ref, wm_ref, p_ref):
    lane = lax.broadcasted_iota(jnp.int32, (1, P), 1)
    for r in range(RPS):
        a = fm_ref[r]
        t = lax.dot_general(wm_ref[...], a,
                            (((1,), (1,)), ((), ())),
                            preferred_element_type=jnp.float32)
        s = jnp.zeros((1, P), jnp.float32)
        for k in range(9):
            dy, dx = k // 3 - 1, k % 3 - 1
            o = dy * WD + dx
            row = t[k:k + 1, :]
            if o > 0:
                sh = jnp.concatenate(
                    [row[:, o:], jnp.zeros((1, o), jnp.float32)], axis=1)
            elif o < 0:
                sh = jnp.concatenate(
                    [jnp.zeros((1, -o), jnp.float32), row[:, :P + o]], axis=1)
            else:
                sh = row
            if dx == 1:
                sh = jnp.where(lane % WD == WD - 1, 0.0, sh)
            elif dx == -1:
                sh = jnp.where(lane % WD == 0, 0.0, sh)
            s = s + sh
        z = s / jnp.float32(TEMP)
        e = jnp.exp(z - jnp.max(z))
        p_ref[r] = e / jnp.sum(e)


def _tc_probs(fm3, wm):
    return pl.pallas_call(
        _tc_body,
        grid=(B // RPS,),
        in_specs=[
            pl.BlockSpec((RPS, P, C), lambda n: (n, 0, 0)),
            pl.BlockSpec((9, C), lambda n: (0, 0)),
        ],
        out_specs=pl.BlockSpec((RPS, 1, P), lambda n: (n, 0, 0)),
        out_shape=jax.ShapeDtypeStruct((B, 1, P), jnp.float32),
    )(fm3, wm)


def _cdf_body(p_ref, tri_ref, cdf_ref):
    cdf_ref[...] = jnp.dot(p_ref[...], tri_ref[...],
                           precision=lax.Precision.HIGHEST,
                           preferred_element_type=jnp.float32)


def _tc_cumsum(probs, tri):
    return pl.pallas_call(
        _cdf_body,
        out_shape=jax.ShapeDtypeStruct((B, P), jnp.float32),
    )(probs, tri)


def _sc_body(cdf_hbm, u_hbm, out_hbm, cdf_v, u_v, out_v):
    wid = lax.axis_index("s") * 2 + lax.axis_index("c")
    pltpu.sync_copy(cdf_hbm.at[wid], cdf_v)
    pltpu.sync_copy(u_hbm.at[wid], u_v)
    lane2 = lax.iota(jnp.int32, 16) * 2

    def search16(i):
        u = u_v[pl.ds(pl.multiple_of(i * 16, 16), 16)]
        cnt = jnp.zeros((16,), jnp.int32)
        for bit in (512, 256, 128, 64, 32, 16, 8, 4, 2, 1):
            t = cnt + bit
            cv = plsc.load_gather(cdf_v, [t - 1])
            cnt = jnp.where(cv < u, t, cnt)
        y = jnp.right_shift(cnt, 5)
        x = jnp.bitwise_and(cnt, WD - 1)
        idx = lane2 + i * 32
        plsc.store_scatter(out_v, [idx], y)
        plsc.store_scatter(out_v, [idx + 1], x)

    @plsc.parallel_loop(0, NS // 16, unroll=4)
    def _loop(i):
        search16(i)

    pltpu.sync_copy(out_v, out_hbm.at[wid])


@functools.cache
def _sc_sample():
    return pl.kernel(
        _sc_body,
        out_type=jax.ShapeDtypeStruct((B, 2 * NS), jnp.int32),
        mesh=plsc.VectorSubcoreMesh(core_axis_name="c", subcore_axis_name="s"),
        scratch_types=[
            pltpu.VMEM((P,), jnp.float32),
            pltpu.VMEM((NS,), jnp.float32),
            pltpu.VMEM((2 * NS,), jnp.int32),
        ],
        compiler_params=pltpu.CompilerParams(needs_layout_passes=False),
    )


def kernel(feature_maps, W, b):
    fm3 = feature_maps.transpose(0, 2, 3, 1).reshape(B, P, C)
    wm = jnp.transpose(W[0], (1, 2, 0)).reshape(9, C)
    probs = _tc_probs(fm3, wm).reshape(B, P)
    cdf = _tc_cumsum(probs, jnp.asarray(_TRI))
    flat = _sc_sample()(cdf, jnp.asarray(_U))
    return flat.reshape(B, NS, 2)

# --- scband reference (transcript-rebuilt; emitter-appended) ---
"""Pipeline reference for scband-keypoints-extractor-64476049047794 (READ-ONLY COPY).

The authoritative reference and input builder live on the scoring server;
editing this copy changes nothing except your own understanding.
"""

import jax, jax.numpy as jnp
import numpy as np

NUM_SAMPLES = 1024
TEMPERATURE = 0.1

def setup_inputs(seed: int = 0) -> dict:
    key = jax.random.key(seed)
    k1, k2 = jax.random.split(key)
    feature_maps = jax.random.normal(k1, (32, 768, 32, 32), dtype=jnp.float32)
    # Conv2d(768 -> 1, kernel 3x3, padding 1) parameters
    W = jax.random.normal(k2, (1, 768, 3, 3), dtype=jnp.float32) * 0.02
    b = jnp.zeros((1,), dtype=jnp.float32)
    return {"feature_maps": feature_maps, "W": W, "b": b}

def reference(feature_maps, W, b):
    batch_size, _, height, width = feature_maps.shape
    saliency_map = jax.lax.conv_general_dilated(
        feature_maps, W, window_strides=(1, 1), padding='SAME',
        dimension_numbers=('NCHW', 'OIHW', 'NCHW'))
    saliency_map = saliency_map + b[None, :, None, None]
    saliency_map = saliency_map.reshape(batch_size, -1)
    saliency_probs = jax.nn.softmax(saliency_map / TEMPERATURE, axis=-1)
    # torch.multinomial(probs, num_samples, replacement=True) via inverse-CDF sampling
    cdf = jnp.cumsum(saliency_probs, axis=-1)
    u = jax.random.uniform(jax.random.key(42), (batch_size, NUM_SAMPLES), dtype=jnp.float32)
    indices = jax.vmap(lambda c, uu: jnp.searchsorted(c, uu))(cdf, u)
    indices = jnp.clip(indices, 0, height * width - 1)
    keypoints_y = indices // width
    keypoints_x = indices % width
    keypoints = jnp.stack([keypoints_y, keypoints_x], axis=-1)
    return keypoints

if __name__ == "__main__":
    import jax
    _d = setup_inputs()
    print(jax.jit(kernel)(*tuple(_d.values())))

</pallas_src>

<mosaic_0001>
#map = affine_map<(d0, d1) -> (0, 0)>
module attributes {stable_mosaic.version = 14 : i64} {
  func.func @_sc_body(%arg0: i32, %arg1: i32, %arg2: memref<32x1024xf32, #tpu.memory_space<hbm>>, %arg3: memref<32x1024xf32, #tpu.memory_space<hbm>>, %arg4: memref<32x2048xi32, #tpu.memory_space<hbm>>, %arg5: memref<1024xf32, #tpu.memory_space<vmem>>, %arg6: memref<1024xf32, #tpu.memory_space<vmem>>, %arg7: memref<2048xi32, #tpu.memory_space<vmem>>) attributes {dimension_semantics = [#tpu.dimension_semantics<core_parallel>, #tpu.dimension_semantics<subcore_parallel>], iteration_bounds = array<i64: 2, 16>, scalar_prefetch = 0 : i64, scratch_operands = 3 : i64, tpu.core_type = #tpu.core_type<sc_vector_subcore>, window_params = [{transform_indices = #map}, {transform_indices = #map}, {transform_indices = #map}]} {
    %mul3A = arith.constant 2 : i32
    %mul3A_0 = arith.muli %arg1, %mul3A : i32
    %add3A = arith.addi %mul3A_0, %arg0 : i32
    "tpu.region"() ({
      %run_scoped3A = tpu.sem_alloc : memref<!tpu.dma_semaphore, #tpu.memory_space<semaphore_mem>>
      %dma_start3A = arith.constant 0 : i32
      %dma_start3A_6 = tpu.memref_slice %arg2[%add3A, %dma_start3A] : memref<32x1024xf32, #tpu.memory_space<hbm>> -> memref<1x1024xf32, #tpu.memory_space<hbm>>
      %dma_start3A_7 = tpu.memref_squeeze %dma_start3A_6 : memref<1x1024xf32, #tpu.memory_space<hbm>> -> memref<1024xf32, #tpu.memory_space<hbm>>
      %dma_start3A_8 = arith.constant 0 : i32
      %dma_start3A_9 = tpu.memref_slice %arg2[%add3A, %dma_start3A_8] : memref<32x1024xf32, #tpu.memory_space<hbm>> -> memref<1x1024xf32, #tpu.memory_space<hbm>>
      %dma_start3A_10 = tpu.memref_squeeze %dma_start3A_9 : memref<1x1024xf32, #tpu.memory_space<hbm>> -> memref<1024xf32, #tpu.memory_space<hbm>>
      tpu.enqueue_dma source(%dma_start3A_10 : memref<1024xf32, #tpu.memory_space<hbm>>) target(%arg5 : memref<1024xf32, #tpu.memory_space<vmem>>) target_semaphore(%run_scoped3A : memref<!tpu.dma_semaphore, #tpu.memory_space<semaphore_mem>>)
      %dma_wait3A = arith.constant 0 : i32
      %dma_wait3A_11 = tpu.memref_slice %arg2[%add3A, %dma_wait3A] : memref<32x1024xf32, #tpu.memory_space<hbm>> -> memref<1x1024xf32, #tpu.memory_space<hbm>>
      %dma_wait3A_12 = tpu.memref_squeeze %dma_wait3A_11 : memref<1x1024xf32, #tpu.memory_space<hbm>> -> memref<1024xf32, #tpu.memory_space<hbm>>
      %dma_wait3A_13 = arith.constant 0 : i32
      %dma_wait3A_14 = tpu.memref_slice %arg2[%add3A, %dma_wait3A_13] : memref<32x1024xf32, #tpu.memory_space<hbm>> -> memref<1x1024xf32, #tpu.memory_space<hbm>>
      %dma_wait3A_15 = tpu.memref_squeeze %dma_wait3A_14 : memref<1x1024xf32, #tpu.memory_space<hbm>> -> memref<1024xf32, #tpu.memory_space<hbm>>
      tpu.wait_dma2 semaphore(%run_scoped3A : memref<!tpu.dma_semaphore, #tpu.memory_space<semaphore_mem>>) src(%dma_wait3A_15 : memref<1024xf32, #tpu.memory_space<hbm>>) dst(%arg5 : memref<1024xf32, #tpu.memory_space<vmem>>)
      tpu.yield
    }) : () -> ()
    "tpu.region"() ({
      %run_scoped3A = tpu.sem_alloc : memref<!tpu.dma_semaphore, #tpu.memory_space<semaphore_mem>>
      %dma_start3A = arith.constant 0 : i32
      %dma_start3A_6 = tpu.memref_slice %arg3[%add3A, %dma_start3A] : memref<32x1024xf32, #tpu.memory_space<hbm>> -> memref<1x1024xf32, #tpu.memory_space<hbm>>
      %dma_start3A_7 = tpu.memref_squeeze %dma_start3A_6 : memref<1x1024xf32, #tpu.memory_space<hbm>> -> memref<1024xf32, #tpu.memory_space<hbm>>
      %dma_start3A_8 = arith.constant 0 : i32
      %dma_start3A_9 = tpu.memref_slice %arg3[%add3A, %dma_start3A_8] : memref<32x1024xf32, #tpu.memory_space<hbm>> -> memref<1x1024xf32, #tpu.memory_space<hbm>>
      %dma_start3A_10 = tpu.memref_squeeze %dma_start3A_9 : memref<1x1024xf32, #tpu.memory_space<hbm>> -> memref<1024xf32, #tpu.memory_space<hbm>>
      tpu.enqueue_dma source(%dma_start3A_10 : memref<1024xf32, #tpu.memory_space<hbm>>) target(%arg6 : memref<1024xf32, #tpu.memory_space<vmem>>) target_semaphore(%run_scoped3A : memref<!tpu.dma_semaphore, #tpu.memory_space<semaphore_mem>>)
      %dma_wait3A = arith.constant 0 : i32
      %dma_wait3A_11 = tpu.memref_slice %arg3[%add3A, %dma_wait3A] : memref<32x1024xf32, #tpu.memory_space<hbm>> -> memref<1x1024xf32, #tpu.memory_space<hbm>>
      %dma_wait3A_12 = tpu.memref_squeeze %dma_wait3A_11 : memref<1x1024xf32, #tpu.memory_space<hbm>> -> memref<1024xf32, #tpu.memory_space<hbm>>
      %dma_wait3A_13 = arith.constant 0 : i32
      %dma_wait3A_14 = tpu.memref_slice %arg3[%add3A, %dma_wait3A_13] : memref<32x1024xf32, #tpu.memory_space<hbm>> -> memref<1x1024xf32, #tpu.memory_space<hbm>>
      %dma_wait3A_15 = tpu.memref_squeeze %dma_wait3A_14 : memref<1x1024xf32, #tpu.memory_space<hbm>> -> memref<1024xf32, #tpu.memory_space<hbm>>
      tpu.wait_dma2 semaphore(%run_scoped3A : memref<!tpu.dma_semaphore, #tpu.memory_space<semaphore_mem>>) src(%dma_wait3A_15 : memref<1024xf32, #tpu.memory_space<hbm>>) dst(%arg6 : memref<1024xf32, #tpu.memory_space<vmem>>)
      tpu.yield
    }) : () -> ()
    %iota3A = tpu.iota {dimensions = array<i32: 0>} : vector<16xi32>
    %mul3A_1 = arith.constant 2 : i32
    %mul3A_2 = vector.broadcast %mul3A_1 : i32 to vector<16xi32>
    %mul3A_3 = arith.muli %iota3A, %mul3A_2 : vector<16xi32>
    %parallel_loop3A = arith.constant 0 : i32
    %parallel_loop3A_4 = arith.constant 64 : i32
    %parallel_loop3A_5 = arith.constant 1 : i32
    scf.for %parallel_loop3A_6 = %parallel_loop3A to %parallel_loop3A_4 step %parallel_loop3A_5  : i32 {
      %parallel_loop3A_7 = arith.constant 16 : i32
      %parallel_loop3A_8 = arith.muli %parallel_loop3A_6, %parallel_loop3A_7 : i32
      %parallel_loop3A_9 = tpu.assume_multiple %parallel_loop3A_8, 16 : i32
      %parallel_loop3A_10 = arith.index_cast %parallel_loop3A_9 : i32 to index
      %parallel_loop3A_11 = tpu.vector_load %arg6[%parallel_loop3A_10] {strides = array<i32>} : memref<1024xf32, #tpu.memory_space<vmem>>, vector<16xf32>,
      %parallel_loop3A_12 = arith.constant 0 : i32
      %parallel_loop3A_13 = vector.broadcast %parallel_loop3A_12 : i32 to vector<16xi32>
      %parallel_loop3A_14 = arith.constant 512 : i32
      %parallel_loop3A_15 = vector.broadcast %parallel_loop3A_14 : i32 to vector<16xi32>
      %parallel_loop3A_16 = arith.addi %parallel_loop3A_13, %parallel_loop3A_15 : vector<16xi32>
      %parallel_loop3A_17 = arith.constant 1 : i32
      %parallel_loop3A_18 = vector.broadcast %parallel_loop3A_17 : i32 to vector<16xi32>
      %parallel_loop3A_19 = arith.subi %parallel_loop3A_16, %parallel_loop3A_18 : vector<16xi32>
      %parallel_loop3A_20 = tpu.vector_load_idx %arg5[%parallel_loop3A_19] : memref<1024xf32, #tpu.memory_space<vmem>>[vector<16xi32>], vector<16xf32>,
      %parallel_loop3A_21 = arith.cmpf olt, %parallel_loop3A_20, %parallel_loop3A_11 : vector<16xf32>
      %parallel_loop3A_22 = arith.select %parallel_loop3A_21, %parallel_loop3A_16, %parallel_loop3A_13 : vector<16xi1>, vector<16xi32>
      %parallel_loop3A_23 = arith.constant 256 : i32
      %parallel_loop3A_24 = vector.broadcast %parallel_loop3A_23 : i32 to vector<16xi32>
      %parallel_loop3A_25 = arith.addi %parallel_loop3A_22, %parallel_loop3A_24 : vector<16xi32>
      %parallel_loop3A_26 = arith.constant 1 : i32
      %parallel_loop3A_27 = vector.broadcast %parallel_loop3A_26 : i32 to vector<16xi32>
      %parallel_loop3A_28 = arith.subi %parallel_loop3A_25, %parallel_loop3A_27 : vector<16xi32>
      %parallel_loop3A_29 = tpu.vector_load_idx %arg5[%parallel_loop3A_28] : memref<1024xf32, #tpu.memory_space<vmem>>[vector<16xi32>], vector<16xf32>,
      %parallel_loop3A_30 = arith.cmpf olt, %parallel_loop3A_29, %parallel_loop3A_11 : vector<16xf32>
      %parallel_loop3A_31 = arith.select %parallel_loop3A_30, %parallel_loop3A_25, %parallel_loop3A_22 : vector<16xi1>, vector<16xi32>
      %parallel_loop3A_32 = arith.constant 128 : i32
      %parallel_loop3A_33 = vector.broadcast %parallel_loop3A_32 : i32 to vector<16xi32>
      %parallel_loop3A_34 = arith.addi %parallel_loop3A_31, %parallel_loop3A_33 : vector<16xi32>
      %parallel_loop3A_35 = arith.constant 1 : i32
      %parallel_loop3A_36 = vector.broadcast %parallel_loop3A_35 : i32 to vector<16xi32>
      %parallel_loop3A_37 = arith.subi %parallel_loop3A_34, %parallel_loop3A_36 : vector<16xi32>
      %parallel_loop3A_38 = tpu.vector_load_idx %arg5[%parallel_loop3A_37] : memref<1024xf32, #tpu.memory_space<vmem>>[vector<16xi32>], vector<16xf32>,
      %parallel_loop3A_39 = arith.cmpf olt, %parallel_loop3A_38, %parallel_loop3A_11 : vector<16xf32>
      %parallel_loop3A_40 = arith.select %parallel_loop3A_39, %parallel_loop3A_34, %parallel_loop3A_31 : vector<16xi1>, vector<16xi32>
      %parallel_loop3A_41 = arith.constant 64 : i32
      %parallel_loop3A_42 = vector.broadcast %parallel_loop3A_41 : i32 to vector<16xi32>
      %parallel_loop3A_43 = arith.addi %parallel_loop3A_40, %parallel_loop3A_42 : vector<16xi32>
      %parallel_loop3A_44 = arith.constant 1 : i32
      %parallel_loop3A_45 = vector.broadcast %parallel_loop3A_44 : i32 to vector<16xi32>
      %parallel_loop3A_46 = arith.subi %parallel_loop3A_43, %parallel_loop3A_45 : vector<16xi32>
      %parallel_loop3A_47 = tpu.vector_load_idx %arg5[%parallel_loop3A_46] : memref<1024xf32, #tpu.memory_space<vmem>>[vector<16xi32>], vector<16xf32>,
      %parallel_loop3A_48 = arith.cmpf olt, %parallel_loop3A_47, %parallel_loop3A_11 : vector<16xf32>
      %parallel_loop3A_49 = arith.select %parallel_loop3A_48, %parallel_loop3A_43, %parallel_loop3A_40 : vector<16xi1>, vector<16xi32>
      %parallel_loop3A_50 = arith.constant 32 : i32
      %parallel_loop3A_51 = vector.broadcast %parallel_loop3A_50 : i32 to vector<16xi32>
      %parallel_loop3A_52 = arith.addi %parallel_loop3A_49, %parallel_loop3A_51 : vector<16xi32>
      %parallel_loop3A_53 = arith.constant 1 : i32
      %parallel_loop3A_54 = vector.broadcast %parallel_loop3A_53 : i32 to vector<16xi32>
      %parallel_loop3A_55 = arith.subi %parallel_loop3A_52, %parallel_loop3A_54 : vector<16xi32>
      %parallel_loop3A_56 = tpu.vector_load_idx %arg5[%parallel_loop3A_55] : memref<1024xf32, #tpu.memory_space<vmem>>[vector<16xi32>], vector<16xf32>,
      %parallel_loop3A_57 = arith.cmpf olt, %parallel_loop3A_56, %parallel_loop3A_11 : vector<16xf32>
      %parallel_loop3A_58 = arith.select %parallel_loop3A_57, %parallel_loop3A_52, %parallel_loop3A_49 : vector<16xi1>, vector<16xi32>
      %parallel_loop3A_59 = arith.constant 16 : i32
      %parallel_loop3A_60 = vector.broadcast %parallel_loop3A_59 : i32 to vector<16xi32>
      %parallel_loop3A_61 = arith.addi %parallel_loop3A_58, %parallel_loop3A_60 : vector<16xi32>
      %parallel_loop3A_62 = arith.constant 1 : i32
      %parallel_loop3A_63 = vector.broadcast %parallel_loop3A_62 : i32 to vector<16xi32>
      %parallel_loop3A_64 = arith.subi %parallel_loop3A_61, %parallel_loop3A_63 : vector<16xi32>
      %parallel_loop3A_65 = tpu.vector_load_idx %arg5[%parallel_loop3A_64] : memref<1024xf32, #tpu.memory_space<vmem>>[vector<16xi32>], vector<16xf32>,
      %parallel_loop3A_66 = arith.cmpf olt, %parallel_loop3A_65, %parallel_loop3A_11 : vector<16xf32>
      %parallel_loop3A_67 = arith.select %parallel_loop3A_66, %parallel_loop3A_61, %parallel_loop3A_58 : vector<16xi1>, vector<16xi32>
      %parallel_loop3A_68 = arith.constant 8 : i32
      %parallel_loop3A_69 = vector.broadcast %parallel_loop3A_68 : i32 to vector<16xi32>
      %parallel_loop3A_70 = arith.addi %parallel_loop3A_67, %parallel_loop3A_69 : vector<16xi32>
      %parallel_loop3A_71 = arith.constant 1 : i32
      %parallel_loop3A_72 = vector.broadcast %parallel_loop3A_71 : i32 to vector<16xi32>
      %parallel_loop3A_73 = arith.subi %parallel_loop3A_70, %parallel_loop3A_72 : vector<16xi32>
      %parallel_loop3A_74 = tpu.vector_load_idx %arg5[%parallel_loop3A_73] : memref<1024xf32, #tpu.memory_space<vmem>>[vector<16xi32>], vector<16xf32>,
      %parallel_loop3A_75 = arith.cmpf olt, %parallel_loop3A_74, %parallel_loop3A_11 : vector<16xf32>
      %parallel_loop3A_76 = arith.select %parallel_loop3A_75, %parallel_loop3A_70, %parallel_loop3A_67 : vector<16xi1>, vector<16xi32>
      %parallel_loop3A_77 = arith.constant 4 : i32
      %parallel_loop3A_78 = vector.broadcast %parallel_loop3A_77 : i32 to vector<16xi32>
      %parallel_loop3A_79 = arith.addi %parallel_loop3A_76, %parallel_loop3A_78 : vector<16xi32>
      %parallel_loop3A_80 = arith.constant 1 : i32
      %parallel_loop3A_81 = vector.broadcast %parallel_loop3A_80 : i32 to vector<16xi32>
      %parallel_loop3A_82 = arith.subi %parallel_loop3A_79, %parallel_loop3A_81 : vector<16xi32>
      %parallel_loop3A_83 = tpu.vector_load_idx %arg5[%parallel_loop3A_82] : memref<1024xf32, #tpu.memory_space<vmem>>[vector<16xi32>], vector<16xf32>,
      %parallel_loop3A_84 = arith.cmpf olt, %parallel_loop3A_83, %parallel_loop3A_11 : vector<16xf32>
      %parallel_loop3A_85 = arith.select %parallel_loop3A_84, %parallel_loop3A_79, %parallel_loop3A_76 : vector<16xi1>, vector<16xi32>
      %parallel_loop3A_86 = arith.constant 2 : i32
      %parallel_loop3A_87 = vector.broadcast %parallel_loop3A_86 : i32 to vector<16xi32>
      %parallel_loop3A_88 = arith.addi %parallel_loop3A_85, %parallel_loop3A_87 : vector<16xi32>
      %parallel_loop3A_89 = arith.constant 1 : i32
      %parallel_loop3A_90 = vector.broadcast %parallel_loop3A_89 : i32 to vector<16xi32>
      %parallel_loop3A_91 = arith.subi %parallel_loop3A_88, %parallel_loop3A_90 : vector<16xi32>
      %parallel_loop3A_92 = tpu.vector_load_idx %arg5[%parallel_loop3A_91] : memref<1024xf32, #tpu.memory_space<vmem>>[vector<16xi32>], vector<16xf32>,
      %parallel_loop3A_93 = arith.cmpf olt, %parallel_loop3A_92, %parallel_loop3A_11 : vector<16xf32>
      %parallel_loop3A_94 = arith.select %parallel_loop3A_93, %parallel_loop3A_88, %parallel_loop3A_85 : vector<16xi1>, vector<16xi32>
      %parallel_loop3A_95 = arith.constant 1 : i32
      %parallel_loop3A_96 = vector.broadcast %parallel_loop3A_95 : i32 to vector<16xi32>
      %parallel_loop3A_97 = arith.addi %parallel_loop3A_94, %parallel_loop3A_96 : vector<16xi32>
      %parallel_loop3A_98 = arith.constant 1 : i32
      %parallel_loop3A_99 = vector.broadcast %parallel_loop3A_98 : i32 to vector<16xi32>
      %parallel_loop3A_100 = arith.subi %parallel_loop3A_97, %parallel_loop3A_99 : vector<16xi32>
      %parallel_loop3A_101 = tpu.vector_load_idx %arg5[%parallel_loop3A_100] : memref<1024xf32, #tpu.memory_space<vmem>>[vector<16xi32>], vector<16xf32>,
      %parallel_loop3A_102 = arith.cmpf olt, %parallel_loop3A_101, %parallel_loop3A_11 : vector<16xf32>
      %parallel_loop3A_103 = arith.select %parallel_loop3A_102, %parallel_loop3A_97, %parallel_loop3A_94 : vector<16xi1>, vector<16xi32>
      %parallel_loop3A_104 = arith.constant 5 : i32
      %parallel_loop3A_105 = vector.broadcast %parallel_loop3A_104 : i32 to vector<16xi32>
      %parallel_loop3A_106 = arith.shrsi %parallel_loop3A_103, %parallel_loop3A_105 : vector<16xi32>
      %parallel_loop3A_107 = arith.constant 31 : i32
      %parallel_loop3A_108 = vector.broadcast %parallel_loop3A_107 : i32 to vector<16xi32>
      %parallel_loop3A_109 = arith.andi %parallel_loop3A_103, %parallel_loop3A_108 : vector<16xi32>
      %parallel_loop3A_110 = arith.constant 32 : i32
      %parallel_loop3A_111 = arith.muli %parallel_loop3A_6, %parallel_loop3A_110 : i32
      %parallel_loop3A_112 = vector.broadcast %parallel_loop3A_111 : i32 to vector<16xi32>
      %parallel_loop3A_113 = arith.addi %mul3A_3, %parallel_loop3A_112 : vector<16xi32>
      tpu.vector_store_idx %arg7[%parallel_loop3A_113], %parallel_loop3A_106 : memref<2048xi32, #tpu.memory_space<vmem>>[vector<16xi32>], vector<16xi32>,
      %parallel_loop3A_114 = arith.constant 1 : i32
      %parallel_loop3A_115 = vector.broadcast %parallel_loop3A_114 : i32 to vector<16xi32>
      %parallel_loop3A_116 = arith.addi %parallel_loop3A_113, %parallel_loop3A_115 : vector<16xi32>
      tpu.vector_store_idx %arg7[%parallel_loop3A_116], %parallel_loop3A_109 : memref<2048xi32, #tpu.memory_space<vmem>>[vector<16xi32>], vector<16xi32>,
    } {sc.loop_unroll_factor = 4 : i64, sc.parallel_access}
    "tpu.region"() ({
      %run_scoped3A = tpu.sem_alloc : memref<!tpu.dma_semaphore, #tpu.memory_space<semaphore_mem>>
      %dma_start3A = arith.constant 0 : i32
      %dma_start3A_6 = tpu.memref_slice %arg4[%add3A, %dma_start3A] : memref<32x2048xi32, #tpu.memory_space<hbm>> -> memref<1x2048xi32, #tpu.memory_space<hbm>>
      %dma_start3A_7 = tpu.memref_squeeze %dma_start3A_6 : memref<1x2048xi32, #tpu.memory_space<hbm>> -> memref<2048xi32, #tpu.memory_space<hbm>>
      %dma_start3A_8 = arith.constant 0 : i32
      %dma_start3A_9 = tpu.memref_slice %arg4[%add3A, %dma_start3A_8] : memref<32x2048xi32, #tpu.memory_space<hbm>> -> memref<1x2048xi32, #tpu.memory_space<hbm>>
      %dma_start3A_10 = tpu.memref_squeeze %dma_start3A_9 : memref<1x2048xi32, #tpu.memory_space<hbm>> -> memref<2048xi32, #tpu.memory_space<hbm>>
      tpu.enqueue_dma source(%arg7 : memref<2048xi32, #tpu.memory_space<vmem>>) target(%dma_start3A_10 : memref<2048xi32, #tpu.memory_space<hbm>>) target_semaphore(%run_scoped3A : memref<!tpu.dma_semaphore, #tpu.memory_space<semaphore_mem>>)
      %dma_wait3A = arith.constant 0 : i32
      %dma_wait3A_11 = tpu.memref_slice %arg4[%add3A, %dma_wait3A] : memref<32x2048xi32, #tpu.memory_space<hbm>> -> memref<1x2048xi32, #tpu.memory_space<hbm>>
      %dma_wait3A_12 = tpu.memref_squeeze %dma_wait3A_11 : memref<1x2048xi32, #tpu.memory_space<hbm>> -> memref<2048xi32, #tpu.memory_space<hbm>>
      %dma_wait3A_13 = arith.constant 0 : i32
      %dma_wait3A_14 = tpu.memref_slice %arg4[%add3A, %dma_wait3A_13] : memref<32x2048xi32, #tpu.memory_space<hbm>> -> memref<1x2048xi32, #tpu.memory_space<hbm>>
      %dma_wait3A_15 = tpu.memref_squeeze %dma_wait3A_14 : memref<1x2048xi32, #tpu.memory_space<hbm>> -> memref<2048xi32, #tpu.memory_space<hbm>>
      tpu.wait_dma2 semaphore(%run_scoped3A : memref<!tpu.dma_semaphore, #tpu.memory_space<semaphore_mem>>) src(%arg7 : memref<2048xi32, #tpu.memory_space<vmem>>) dst(%dma_wait3A_15 : memref<2048xi32, #tpu.memory_space<hbm>>)
      tpu.yield
    }) : () -> ()
    return
  }
}

module attributes {stable_mosaic.version = 14 : i64} {
  func.func @_cdf_body(%arg0: memref<32x1024xf32, #tpu.memory_space<vmem>>, %arg1: memref<1024x1024xf32, #tpu.memory_space<vmem>>, %arg2: memref<32x1024xf32, #tpu.memory_space<vmem>>) attributes {dimension_semantics = [], scalar_prefetch = 0 : i64, scratch_operands = 0 : i64, tpu.core_type = #tpu.core_type<tc>} {
    %get3A = arith.constant 0 : index
    %get3A_0 = arith.constant 0 : index
    %get3A_1 = vector.load %arg0[%get3A, %get3A_0] : memref<32x1024xf32, #tpu.memory_space<vmem>>, vector<32x1024xf32>
    %get3A_2 = arith.constant 0 : index
    %get3A_3 = arith.constant 0 : index
    %get3A_4 = vector.load %arg1[%get3A_2, %get3A_3] : memref<1024x1024xf32, #tpu.memory_space<vmem>>, vector<1024x1024xf32>
    %dot_general3A = arith.constant dense<0.000000e+00> : vector<32x1024xf32>
    %dot_general3A_5 = tpu.matmul %get3A_1, %get3A_4, %dot_general3A {dimension_numbers = #tpu.dot_dimension_numbers<[1], [0], [0], [1], [0, 0, 1, 1], [], []>, precision = #tpu.contract_precision<fp32>, transpose_lhs_hint = false} : vector<32x1024xf32>, vector<1024x1024xf32>, vector<32x1024xf32> -> vector<32x1024xf32>
    %swap3A = arith.constant 0 : index
    %swap3A_6 = arith.constant 0 : index
    %swap3A_7 = vector.load %arg2[%swap3A, %swap3A_6] : memref<32x1024xf32, #tpu.memory_space<vmem>>, vector<32x1024xf32>
    tpu.vector_store %arg2[%swap3A, %swap3A_6], %dot_general3A_5 {strides = array<i32>} : memref<32x1024xf32, #tpu.memory_space<vmem>>, vector<32x1024xf32>,
    return
  }
}

module attributes {stable_mosaic.version = 14 : i64} {
  func.func @_tc_body(%arg0: i32, %arg1: memref<4x1024x768xf32, #tpu.memory_space<vmem>>, %arg2: memref<9x768xf32, #tpu.memory_space<vmem>>, %arg3: memref<4x1x1024xf32, #tpu.memory_space<vmem>>) attributes {dimension_semantics = [#tpu.dimension_semantics<arbitrary>], iteration_bounds = array<i64: 8>, scalar_prefetch = 0 : i64, scratch_operands = 0 : i64, tpu.core_type = #tpu.core_type<tc>, window_params = [{transform_indices = @transform_0, window_bounds = array<i64: 4, 1024, 768>}, {pipeline_mode = #tpu.pipeline_mode<synchronous>, transform_indices = @transform_1, window_bounds = array<i64: 9, 768>}, {transform_indices = @transform_2, window_bounds = array<i64: 4, 1, 1024>}]} {
    %iota3A = tpu.iota {dimensions = array<i32: 1>} : vector<1x1024xi32>
    %get3A = arith.constant 0 : index
    %get3A_0 = arith.constant 0 : index
    %get3A_1 = arith.constant 0 : index
    %get3A_2 = vector.load %arg1[%get3A, %get3A_0, %get3A_1] : memref<4x1024x768xf32, #tpu.memory_space<vmem>>, vector<1x1024x768xf32>
    %get3A_3 = vector.shape_cast %get3A_2 : vector<1x1024x768xf32> to vector<1024x768xf32>
    %get3A_4 = arith.constant 0 : index
    %get3A_5 = arith.constant 0 : index
    %get3A_6 = vector.load %arg2[%get3A_4, %get3A_5] : memref<9x768xf32, #tpu.memory_space<vmem>>, vector<9x768xf32>
    %dot_general3A = arith.constant dense<0.000000e+00> : vector<9x1024xf32>
    %dot_general3A_7 = tpu.matmul %get3A_6, %get3A_3, %dot_general3A {dimension_numbers = #tpu.dot_dimension_numbers<[1], [1], [0], [0], [0, 0, 1, 0], [], []>, transpose_lhs_hint = false} : vector<9x768xf32>, vector<1024x768xf32>, vector<9x1024xf32> -> vector<9x1024xf32>
    %broadcast_in_dim3A = arith.constant 0.000000e+00 : f32
    %broadcast_in_dim3A_8 = vector.broadcast %broadcast_in_dim3A : f32 to vector<1x1024xf32>
    %slice3A = vector.extract_strided_slice %dot_general3A_7 {offsets = [0, 0], sizes = [1, 1024], strides = [1, 1]} : vector<9x1024xf32> to vector<1x1024xf32>
    %broadcast_in_dim3A_9 = arith.constant 0.000000e+00 : f32
    %broadcast_in_dim3A_10 = vector.broadcast %broadcast_in_dim3A_9 : f32 to vector<1x33xf32>
    %slice3A_11 = vector.extract_strided_slice %slice3A {offsets = [0, 0], sizes = [1, 991], strides = [1, 1]} : vector<1x1024xf32> to vector<1x991xf32>
    %concatenate3A = tpu.concatenate %broadcast_in_dim3A_10, %slice3A_11 in 1 : vector<1x33xf32>, vector<1x991xf32> -> vector<1x1024xf32>
    %jit3A = arith.constant 32 : i32
    %eq3A = arith.constant 0 : i32
    %eq3A_12 = arith.cmpi eq, %jit3A, %eq3A : i32
    %jit3A_13 = arith.constant 1 : i32
    %select_n3A = arith.select %eq3A_12, %jit3A_13, %jit3A : i32
    %rem3A = vector.broadcast %select_n3A : i32 to vector<1x1024xi32>
    %rem3A_14 = arith.remsi %iota3A, %rem3A : vector<1x1024xi32>
    %ne3A = arith.constant 0 : i32
    %ne3A_15 = vector.broadcast %ne3A : i32 to vector<1x1024xi32>
    %ne3A_16 = arith.cmpi ne, %rem3A_14, %ne3A_15 : vector<1x1024xi32>
    %lt3A = arith.constant 0 : i32
    %lt3A_17 = vector.broadcast %lt3A : i32 to vector<1x1024xi32>
    %lt3A_18 = arith.cmpi slt, %rem3A_14, %lt3A_17 : vector<1x1024xi32>
    %lt3A_19 = arith.constant 0 : i32
    %lt3A_20 = arith.cmpi slt, %select_n3A, %lt3A_19 : i32
    %ne3A_21 = vector.broadcast %lt3A_20 : i1 to vector<1x1024xi1>
    %ne3A_22 = vector.broadcast %ne3A_21 : vector<1x1024xi1> to vector<1x1024xi1>
    %ne3A_23 = arith.xori %lt3A_18, %ne3A_22 : vector<1x1024xi1>
    %and3A = arith.andi %ne3A_23, %ne3A_16 : vector<1x1024xi1>
    %add3A = vector.broadcast %select_n3A : i32 to vector<1x1024xi32>
    %add3A_24 = arith.addi %rem3A_14, %add3A : vector<1x1024xi32>
    %select_n3A_25 = arith.select %and3A, %add3A_24, %rem3A_14 : vector<1x1024xi1>, vector<1x1024xi32>
    %eq3A_26 = arith.constant 0 : i32
    %eq3A_27 = vector.broadcast %eq3A_26 : i32 to vector<1x1024xi32>
    %eq3A_28 = arith.cmpi eq, %select_n3A_25, %eq3A_27 : vector<1x1024xi32>
    %jit3A_29 = arith.constant 0.000000e+00 : f32
    %broadcast_in_dim3A_30 = vector.broadcast %jit3A_29 : f32 to vector<1x1024xf32>
    %select_n3A_31 = arith.select %eq3A_28, %broadcast_in_dim3A_30, %concatenate3A : vector<1x1024xi1>, vector<1x1024xf32>
    %add3A_32 = arith.addf %broadcast_in_dim3A_8, %select_n3A_31 : vector<1x1024xf32>
    %slice3A_33 = vector.extract_strided_slice %dot_general3A_7 {offsets = [1, 0], sizes = [1, 1024], strides = [1, 1]} : vector<9x1024xf32> to vector<1x1024xf32>
    %broadcast_in_dim3A_34 = arith.constant 0.000000e+00 : f32
    %broadcast_in_dim3A_35 = vector.broadcast %broadcast_in_dim3A_34 : f32 to vector<1x32xf32>
    %slice3A_36 = vector.extract_strided_slice %slice3A_33 {offsets = [0, 0], sizes = [1, 992], strides = [1, 1]} : vector<1x1024xf32> to vector<1x992xf32>
    %concatenate3A_37 = tpu.concatenate %broadcast_in_dim3A_35, %slice3A_36 in 1 : vector<1x32xf32>, vector<1x992xf32> -> vector<1x1024xf32>
    %add3A_38 = arith.addf %add3A_32, %concatenate3A_37 : vector<1x1024xf32>
    %slice3A_39 = vector.extract_strided_slice %dot_general3A_7 {offsets = [2, 0], sizes = [1, 1024], strides = [1, 1]} : vector<9x1024xf32> to vector<1x1024xf32>
    %broadcast_in_dim3A_40 = arith.constant 0.000000e+00 : f32
    %broadcast_in_dim3A_41 = vector.broadcast %broadcast_in_dim3A_40 : f32 to vector<1x31xf32>
    %slice3A_42 = vector.extract_strided_slice %slice3A_39 {offsets = [0, 0], sizes = [1, 993], strides = [1, 1]} : vector<1x1024xf32> to vector<1x993xf32>
    %concatenate3A_43 = tpu.concatenate %broadcast_in_dim3A_41, %slice3A_42 in 1 : vector<1x31xf32>, vector<1x993xf32> -> vector<1x1024xf32>
    %jit3A_44 = arith.constant 32 : i32
    %eq3A_45 = arith.constant 0 : i32
    %eq3A_46 = arith.cmpi eq, %jit3A_44, %eq3A_45 : i32
    %jit3A_47 = arith.constant 1 : i32
    %select_n3A_48 = arith.select %eq3A_46, %jit3A_47, %jit3A_44 : i32
    %rem3A_49 = vector.broadcast %select_n3A_48 : i32 to vector<1x1024xi32>
    %rem3A_50 = arith.remsi %iota3A, %rem3A_49 : vector<1x1024xi32>
    %ne3A_51 = arith.constant 0 : i32
    %ne3A_52 = vector.broadcast %ne3A_51 : i32 to vector<1x1024xi32>
    %ne3A_53 = arith.cmpi ne, %rem3A_50, %ne3A_52 : vector<1x1024xi32>
    %lt3A_54 = arith.constant 0 : i32
    %lt3A_55 = vector.broadcast %lt3A_54 : i32 to vector<1x1024xi32>
    %lt3A_56 = arith.cmpi slt, %rem3A_50, %lt3A_55 : vector<1x1024xi32>
    %lt3A_57 = arith.constant 0 : i32
    %lt3A_58 = arith.cmpi slt, %select_n3A_48, %lt3A_57 : i32
    %ne3A_59 = vector.broadcast %lt3A_58 : i1 to vector<1x1024xi1>
    %ne3A_60 = vector.broadcast %ne3A_59 : vector<1x1024xi1> to vector<1x1024xi1>
    %ne3A_61 = arith.xori %lt3A_56, %ne3A_60 : vector<1x1024xi1>
    %and3A_62 = arith.andi %ne3A_61, %ne3A_53 : vector<1x1024xi1>
    %add3A_63 = vector.broadcast %select_n3A_48 : i32 to vector<1x1024xi32>
    %add3A_64 = arith.addi %rem3A_50, %add3A_63 : vector<1x1024xi32>
    %select_n3A_65 = arith.select %and3A_62, %add3A_64, %rem3A_50 : vector<1x1024xi1>, vector<1x1024xi32>
    %eq3A_66 = arith.constant 31 : i32
    %eq3A_67 = vector.broadcast %eq3A_66 : i32 to vector<1x1024xi32>
    %eq3A_68 = arith.cmpi eq, %select_n3A_65, %eq3A_67 : vector<1x1024xi32>
    %jit3A_69 = arith.constant 0.000000e+00 : f32
    %broadcast_in_dim3A_70 = vector.broadcast %jit3A_69 : f32 to vector<1x1024xf32>
    %select_n3A_71 = arith.select %eq3A_68, %broadcast_in_dim3A_70, %concatenate3A_43 : vector<1x1024xi1>, vector<1x1024xf32>
    %add3A_72 = arith.addf %add3A_38, %select_n3A_71 : vector<1x1024xf32>
    %slice3A_73 = vector.extract_strided_slice %dot_general3A_7 {offsets = [3, 0], sizes = [1, 1024], strides = [1, 1]} : vector<9x1024xf32> to vector<1x1024xf32>
    %broadcast_in_dim3A_74 = arith.constant 0.000000e+00 : f32
    %broadcast_in_dim3A_75 = vector.broadcast %broadcast_in_dim3A_74 : f32 to vector<1x1xf32>
    %slice3A_76 = vector.extract_strided_slice %slice3A_73 {offsets = [0, 0], sizes = [1, 1023], strides = [1, 1]} : vector<1x1024xf32> to vector<1x1023xf32>
    %concatenate3A_77 = tpu.concatenate %broadcast_in_dim3A_75, %slice3A_76 in 1 : vector<1x1xf32>, vector<1x1023xf32> -> vector<1x1024xf32>
    %jit3A_78 = arith.constant 32 : i32
    %eq3A_79 = arith.constant 0 : i32
    %eq3A_80 = arith.cmpi eq, %jit3A_78, %eq3A_79 : i32
    %jit3A_81 = arith.constant 1 : i32
    %select_n3A_82 = arith.select %eq3A_80, %jit3A_81, %jit3A_78 : i32
    %rem3A_83 = vector.broadcast %select_n3A_82 : i32 to vector<1x1024xi32>
    %rem3A_84 = arith.remsi %iota3A, %rem3A_83 : vector<1x1024xi32>
    %ne3A_85 = arith.constant 0 : i32
    %ne3A_86 = vector.broadcast %ne3A_85 : i32 to vector<1x1024xi32>
    %ne3A_87 = arith.cmpi ne, %rem3A_84, %ne3A_86 : vector<1x1024xi32>
    %lt3A_88 = arith.constant 0 : i32
    %lt3A_89 = vector.broadcast %lt3A_88 : i32 to vector<1x1024xi32>
    %lt3A_90 = arith.cmpi slt, %rem3A_84, %lt3A_89 : vector<1x1024xi32>
    %lt3A_91 = arith.constant 0 : i32
    %lt3A_92 = arith.cmpi slt, %select_n3A_82, %lt3A_91 : i32
    %ne3A_93 = vector.broadcast %lt3A_92 : i1 to vector<1x1024xi1>
    %ne3A_94 = vector.broadcast %ne3A_93 : vector<1x1024xi1> to vector<1x1024xi1>
    %ne3A_95 = arith.xori %lt3A_90, %ne3A_94 : vector<1x1024xi1>
    %and3A_96 = arith.andi %ne3A_95, %ne3A_87 : vector<1x1024xi1>
    %add3A_97 = vector.broadcast %select_n3A_82 : i32 to vector<1x1024xi32>
    %add3A_98 = arith.addi %rem3A_84, %add3A_97 : vector<1x1024xi32>
    %select_n3A_99 = arith.select %and3A_96, %add3A_98, %rem3A_84 : vector<1x1024xi1>, vector<1x1024xi32>
    %eq3A_100 = arith.constant 0 : i32
    %eq3A_101 = vector.broadcast %eq3A_100 : i32 to vector<1x1024xi32>
    %eq3A_102 = arith.cmpi eq, %select_n3A_99, %eq3A_101 : vector<1x1024xi32>
    %jit3A_103 = arith.constant 0.000000e+00 : f32
    %broadcast_in_dim3A_104 = vector.broadcast %jit3A_103 : f32 to vector<1x1024xf32>
    %select_n3A_105 = arith.select %eq3A_102, %broadcast_in_dim3A_104, %concatenate3A_77 : vector<1x1024xi1>, vector<1x1024xf32>
    %add3A_106 = arith.addf %add3A_72, %select_n3A_105 : vector<1x1024xf32>
    %slice3A_107 = vector.extract_strided_slice %dot_general3A_7 {offsets = [4, 0], sizes = [1, 1024], strides = [1, 1]} : vector<9x1024xf32> to vector<1x1024xf32>
    %add3A_108 = arith.addf %add3A_106, %slice3A_107 : vector<1x1024xf32>
    %slice3A_109 = vector.extract_strided_slice %dot_general3A_7 {offsets = [5, 0], sizes = [1, 1024], strides = [1, 1]} : vector<9x1024xf32> to vector<1x1024xf32>
    %slice3A_110 = vector.extract_strided_slice %slice3A_109 {offsets = [0, 1], sizes = [1, 1023], strides = [1, 1]} : vector<1x1024xf32> to vector<1x1023xf32>
    %broadcast_in_dim3A_111 = arith.constant 0.000000e+00 : f32
    %broadcast_in_dim3A_112 = vector.broadcast %broadcast_in_dim3A_111 : f32 to vector<1x1xf32>
    %concatenate3A_113 = tpu.concatenate %slice3A_110, %broadcast_in_dim3A_112 in 1 : vector<1x1023xf32>, vector<1x1xf32> -> vector<1x1024xf32>
    %jit3A_114 = arith.constant 32 : i32
    %eq3A_115 = arith.constant 0 : i32
    %eq3A_116 = arith.cmpi eq, %jit3A_114, %eq3A_115 : i32
    %jit3A_117 = arith.constant 1 : i32
    %select_n3A_118 = arith.select %eq3A_116, %jit3A_117, %jit3A_114 : i32
    %rem3A_119 = vector.broadcast %select_n3A_118 : i32 to vector<1x1024xi32>
    %rem3A_120 = arith.remsi %iota3A, %rem3A_119 : vector<1x1024xi32>
    %ne3A_121 = arith.constant 0 : i32
    %ne3A_122 = vector.broadcast %ne3A_121 : i32 to vector<1x1024xi32>
    %ne3A_123 = arith.cmpi ne, %rem3A_120, %ne3A_122 : vector<1x1024xi32>
    %lt3A_124 = arith.constant 0 : i32
    %lt3A_125 = vector.broadcast %lt3A_124 : i32 to vector<1x1024xi32>
    %lt3A_126 = arith.cmpi slt, %rem3A_120, %lt3A_125 : vector<1x1024xi32>
    %lt3A_127 = arith.constant 0 : i32
    %lt3A_128 = arith.cmpi slt, %select_n3A_118, %lt3A_127 : i32
    %ne3A_129 = vector.broadcast %lt3A_128 : i1 to vector<1x1024xi1>
    %ne3A_130 = vector.broadcast %ne3A_129 : vector<1x1024xi1> to vector<1x1024xi1>
    %ne3A_131 = arith.xori %lt3A_126, %ne3A_130 : vector<1x1024xi1>
    %and3A_132 = arith.andi %ne3A_131, %ne3A_123 : vector<1x1024xi1>
    %add3A_133 = vector.broadcast %select_n3A_118 : i32 to vector<1x1024xi32>
    %add3A_134 = arith.addi %rem3A_120, %add3A_133 : vector<1x1024xi32>
    %select_n3A_135 = arith.select %and3A_132, %add3A_134, %rem3A_120 : vector<1x1024xi1>, vector<1x1024xi32>
    %eq3A_136 = arith.constant 31 : i32
    %eq3A_137 = vector.broadcast %eq3A_136 : i32 to vector<1x1024xi32>
    %eq3A_138 = arith.cmpi eq, %select_n3A_135, %eq3A_137 : vector<1x1024xi32>
    %jit3A_139 = arith.constant 0.000000e+00 : f32
    %broadcast_in_dim3A_140 = vector.broadcast %jit3A_139 : f32 to vector<1x1024xf32>
    %select_n3A_141 = arith.select %eq3A_138, %broadcast_in_dim3A_140, %concatenate3A_113 : vector<1x1024xi1>, vector<1x1024xf32>
    %add3A_142 = arith.addf %add3A_108, %select_n3A_141 : vector<1x1024xf32>
    %slice3A_143 = vector.extract_strided_slice %dot_general3A_7 {offsets = [6, 0], sizes = [1, 1024], strides = [1, 1]} : vector<9x1024xf32> to vector<1x1024xf32>
    %slice3A_144 = vector.extract_strided_slice %slice3A_143 {offsets = [0, 31], sizes = [1, 993], strides = [1, 1]} : vector<1x1024xf32> to vector<1x993xf32>
    %broadcast_in_dim3A_145 = arith.constant 0.000000e+00 : f32
    %broadcast_in_dim3A_146 = vector.broadcast %broadcast_in_dim3A_145 : f32 to vector<1x31xf32>
    %concatenate3A_147 = tpu.concatenate %slice3A_144, %broadcast_in_dim3A_146 in 1 : vector<1x993xf32>, vector<1x31xf32> -> vector<1x1024xf32>
    %jit3A_148 = arith.constant 32 : i32
    %eq3A_149 = arith.constant 0 : i32
    %eq3A_150 = arith.cmpi eq, %jit3A_148, %eq3A_149 : i32
    %jit3A_151 = arith.constant 1 : i32
    %select_n3A_152 = arith.select %eq3A_150, %jit3A_151, %jit3A_148 : i32
    %rem3A_153 = vector.broadcast %select_n3A_152 : i32 to vector<1x1024xi32>
    %rem3A_154 = arith.remsi %iota3A, %rem3A_153 : vector<1x1024xi32>
    %ne3A_155 = arith.constant 0 : i32
    %ne3A_156 = vector.broadcast %ne3A_155 : i32 to vector<1x1024xi32>
    %ne3A_157 = arith.cmpi ne, %rem3A_154, %ne3A_156 : vector<1x1024xi32>
    %lt3A_158 = arith.constant 0 : i32
    %lt3A_159 = vector.broadcast %lt3A_158 : i32 to vector<1x1024xi32>
    %lt3A_160 = arith.cmpi slt, %rem3A_154, %lt3A_159 : vector<1x1024xi32>
    %lt3A_161 = arith.constant 0 : i32
    %lt3A_162 = arith.cmpi slt, %select_n3A_152, %lt3A_161 : i32
    %ne3A_163 = vector.broadcast %lt3A_162 : i1 to vector<1x1024xi1>
    %ne3A_164 = vector.broadcast %ne3A_163 : vector<1x1024xi1> to vector<1x1024xi1>
    %ne3A_165 = arith.xori %lt3A_160, %ne3A_164 : vector<1x1024xi1>
    %and3A_166 = arith.andi %ne3A_165, %ne3A_157 : vector<1x1024xi1>
    %add3A_167 = vector.broadcast %select_n3A_152 : i32 to vector<1x1024xi32>
    %add3A_168 = arith.addi %rem3A_154, %add3A_167 : vector<1x1024xi32>
    %select_n3A_169 = arith.select %and3A_166, %add3A_168, %rem3A_154 : vector<1x1024xi1>, vector<1x1024xi32>
    %eq3A_170 = arith.constant 0 : i32
    %eq3A_171 = vector.broadcast %eq3A_170 : i32 to vector<1x1024xi32>
    %eq3A_172 = arith.cmpi eq, %select_n3A_169, %eq3A_171 : vector<1x1024xi32>
    %jit3A_173 = arith.constant 0.000000e+00 : f32
    %broadcast_in_dim3A_174 = vector.broadcast %jit3A_173 : f32 to vector<1x1024xf32>
    %select_n3A_175 = arith.select %eq3A_172, %broadcast_in_dim3A_174, %concatenate3A_147 : vector<1x1024xi1>, vector<1x1024xf32>
    %add3A_176 = arith.addf %add3A_142, %select_n3A_175 : vector<1x1024xf32>
    %slice3A_177 = vector.extract_strided_slice %dot_general3A_7 {offsets = [7, 0], sizes = [1, 1024], strides = [1, 1]} : vector<9x1024xf32> to vector<1x1024xf32>
    %slice3A_178 = vector.extract_strided_slice %slice3A_177 {offsets = [0, 32], sizes = [1, 992], strides = [1, 1]} : vector<1x1024xf32> to vector<1x992xf32>
    %broadcast_in_dim3A_179 = arith.constant 0.000000e+00 : f32
    %broadcast_in_dim3A_180 = vector.broadcast %broadcast_in_dim3A_179 : f32 to vector<1x32xf32>
    %concatenate3A_181 = tpu.concatenate %slice3A_178, %broadcast_in_dim3A_180 in 1 : vector<1x992xf32>, vector<1x32xf32> -> vector<1x1024xf32>
    %add3A_182 = arith.addf %add3A_176, %concatenate3A_181 : vector<1x1024xf32>
    %slice3A_183 = vector.extract_strided_slice %dot_general3A_7 {offsets = [8, 0], sizes = [1, 1024], strides = [1, 1]} : vector<9x1024xf32> to vector<1x1024xf32>
    %slice3A_184 = vector.extract_strided_slice %slice3A_183 {offsets = [0, 33], sizes = [1, 991], strides = [1, 1]} : vector<1x1024xf32> to vector<1x991xf32>
    %broadcast_in_dim3A_185 = arith.constant 0.000000e+00 : f32
    %broadcast_in_dim3A_186 = vector.broadcast %broadcast_in_dim3A_185 : f32 to vector<1x33xf32>
    %concatenate3A_187 = tpu.concatenate %slice3A_184, %broadcast_in_dim3A_186 in 1 : vector<1x991xf32>, vector<1x33xf32> -> vector<1x1024xf32>
    %jit3A_188 = arith.constant 32 : i32
    %eq3A_189 = arith.constant 0 : i32
    %eq3A_190 = arith.cmpi eq, %jit3A_188, %eq3A_189 : i32
    %jit3A_191 = arith.constant 1 : i32
    %select_n3A_192 = arith.select %eq3A_190, %jit3A_191, %jit3A_188 : i32
    %rem3A_193 = vector.broadcast %select_n3A_192 : i32 to vector<1x1024xi32>
    %rem3A_194 = arith.remsi %iota3A, %rem3A_193 : vector<1x1024xi32>
    %ne3A_195 = arith.constant 0 : i32
    %ne3A_196 = vector.broadcast %ne3A_195 : i32 to vector<1x1024xi32>
    %ne3A_197 = arith.cmpi ne, %rem3A_194, %ne3A_196 : vector<1x1024xi32>
    %lt3A_198 = arith.constant 0 : i32
    %lt3A_199 = vector.broadcast %lt3A_198 : i32 to vector<1x1024xi32>
    %lt3A_200 = arith.cmpi slt, %rem3A_194, %lt3A_199 : vector<1x1024xi32>
    %lt3A_201 = arith.constant 0 : i32
    %lt3A_202 = arith.cmpi slt, %select_n3A_192, %lt3A_201 : i32
    %ne3A_203 = vector.broadcast %lt3A_202 : i1 to vector<1x1024xi1>
    %ne3A_204 = vector.broadcast %ne3A_203 : vector<1x1024xi1> to vector<1x1024xi1>
    %ne3A_205 = arith.xori %lt3A_200, %ne3A_204 : vector<1x1024xi1>
    %and3A_206 = arith.andi %ne3A_205, %ne3A_197 : vector<1x1024xi1>
    %add3A_207 = vector.broadcast %select_n3A_192 : i32 to vector<1x1024xi32>
    %add3A_208 = arith.addi %rem3A_194, %add3A_207 : vector<1x1024xi32>
    %select_n3A_209 = arith.select %and3A_206, %add3A_208, %rem3A_194 : vector<1x1024xi1>, vector<1x1024xi32>
    %eq3A_210 = arith.constant 31 : i32
    %eq3A_211 = vector.broadcast %eq3A_210 : i32 to vector<1x1024xi32>
    %eq3A_212 = arith.cmpi eq, %select_n3A_209, %eq3A_211 : vector<1x1024xi32>
    %jit3A_213 = arith.constant 0.000000e+00 : f32
    %broadcast_in_dim3A_214 = vector.broadcast %jit3A_213 : f32 to vector<1x1024xf32>
    %select_n3A_215 = arith.select %eq3A_212, %broadcast_in_dim3A_214, %concatenate3A_187 : vector<1x1024xi1>, vector<1x1024xf32>
    %add3A_216 = arith.addf %add3A_182, %select_n3A_215 : vector<1x1024xf32>
    %div3A = arith.constant 1.000000e-01 : f32
    %div3A_217 = vector.broadcast %div3A : f32 to vector<1x1024xf32>
    %div3A_218 = arith.divf %add3A_216, %div3A_217 : vector<1x1024xf32>
    %reduce_max3A = vector.shape_cast %div3A_218 : vector<1x1024xf32> to vector<1x1x1024xf32>
    %reduce_max3A_219 = arith.constant dense<0xFF800000> : vector<1xf32>
    %reduce_max3A_220 = vector.multi_reduction <maximumf>, %reduce_max3A, %reduce_max3A_219 [1, 2] : vector<1x1x1024xf32> to vector<1xf32>
    %reduce_max3A_221 = vector.shape_cast %reduce_max3A_220 : vector<1xf32> to vector<1x1x1xf32>
    %reduce_max3A_222 = vector.extract %reduce_max3A_221[0, 0, 0] : f32 from vector<1x1x1xf32>
    %sub3A = vector.broadcast %reduce_max3A_222 : f32 to vector<1x1024xf32>
    %sub3A_223 = arith.subf %div3A_218, %sub3A : vector<1x1024xf32>
    %exp3A = math.exp %sub3A_223 : vector<1x1024xf32>
    %reduce_sum3A = vector.shape_cast %exp3A : vector<1x1024xf32> to vector<1x1x1024xf32>
    %reduce_sum3A_224 = arith.constant dense<0.000000e+00> : vector<1xf32>
    %reduce_sum3A_225 = vector.multi_reduction <add>, %reduce_sum3A, %reduce_sum3A_224 [1, 2] : vector<1x1x1024xf32> to vector<1xf32>
    %reduce_sum3A_226 = vector.shape_cast %reduce_sum3A_225 : vector<1xf32> to vector<1x1x1xf32>
    %reduce_sum3A_227 = vector.extract %reduce_sum3A_226[0, 0, 0] : f32 from vector<1x1x1xf32>
    %div3A_228 = vector.broadcast %reduce_sum3A_227 : f32 to vector<1x1024xf32>
    %div3A_229 = arith.divf %exp3A, %div3A_228 : vector<1x1024xf32>
    %swap3A = arith.constant 0 : index
    %swap3A_230 = arith.constant 0 : index
    %swap3A_231 = arith.constant 0 : index
    %swap3A_232 = vector.load %arg3[%swap3A, %swap3A_230, %swap3A_231] : memref<4x1x1024xf32, #tpu.memory_space<vmem>>, vector<1x1x1024xf32>
    %swap3A_233 = vector.shape_cast %swap3A_232 : vector<1x1x1024xf32> to vector<1x1024xf32>
    %swap3A_234 = vector.shape_cast %div3A_229 : vector<1x1024xf32> to vector<1x1x1024xf32>
    tpu.vector_store %arg3[%swap3A, %swap3A_230, %swap3A_231], %swap3A_234 {strides = array<i32>} : memref<4x1x1024xf32, #tpu.memory_space<vmem>>, vector<1x1x1024xf32>,
    %get3A_235 = arith.constant 1 : index
    %get3A_236 = arith.constant 0 : index
    %get3A_237 = arith.constant 0 : index
    %get3A_238 = vector.load %arg1[%get3A_235, %get3A_236, %get3A_237] : memref<4x1024x768xf32, #tpu.memory_space<vmem>>, vector<1x1024x768xf32>
    %get3A_239 = vector.shape_cast %get3A_238 : vector<1x1024x768xf32> to vector<1024x768xf32>
    %get3A_240 = arith.constant 0 : index
    %get3A_241 = arith.constant 0 : index
    %get3A_242 = vector.load %arg2[%get3A_240, %get3A_241] : memref<9x768xf32, #tpu.memory_space<vmem>>, vector<9x768xf32>
    %dot_general3A_243 = arith.constant dense<0.000000e+00> : vector<9x1024xf32>
    %dot_general3A_244 = tpu.matmul %get3A_242, %get3A_239, %dot_general3A_243 {dimension_numbers = #tpu.dot_dimension_numbers<[1], [1], [0], [0], [0, 0, 1, 0], [], []>, transpose_lhs_hint = false} : vector<9x768xf32>, vector<1024x768xf32>, vector<9x1024xf32> -> vector<9x1024xf32>
    %broadcast_in_dim3A_245 = arith.constant 0.000000e+00 : f32
    %broadcast_in_dim3A_246 = vector.broadcast %broadcast_in_dim3A_245 : f32 to vector<1x1024xf32>
    %slice3A_247 = vector.extract_strided_slice %dot_general3A_244 {offsets = [0, 0], sizes = [1, 1024], strides = [1, 1]} : vector<9x1024xf32> to vector<1x1024xf32>
    %broadcast_in_dim3A_248 = arith.constant 0.000000e+00 : f32
    %broadcast_in_dim3A_249 = vector.broadcast %broadcast_in_dim3A_248 : f32 to vector<1x33xf32>
    %slice3A_250 = vector.extract_strided_slice %slice3A_247 {offsets = [0, 0], sizes = [1, 991], strides = [1, 1]} : vector<1x1024xf32> to vector<1x991xf32>
    %concatenate3A_251 = tpu.concatenate %broadcast_in_dim3A_249, %slice3A_250 in 1 : vector<1x33xf32>, vector<1x991xf32> -> vector<1x1024xf32>
    %jit3A_252 = arith.constant 32 : i32
    %eq3A_253 = arith.constant 0 : i32
    %eq3A_254 = arith.cmpi eq, %jit3A_252, %eq3A_253 : i32
    %jit3A_255 = arith.constant 1 : i32
    %select_n3A_256 = arith.select %eq3A_254, %jit3A_255, %jit3A_252 : i32
    %rem3A_257 = vector.broadcast %select_n3A_256 : i32 to vector<1x1024xi32>
    %rem3A_258 = arith.remsi %iota3A, %rem3A_257 : vector<1x1024xi32>
    %ne3A_259 = arith.constant 0 : i32
    %ne3A_260 = vector.broadcast %ne3A_259 : i32 to vector<1x1024xi32>
    %ne3A_261 = arith.cmpi ne, %rem3A_258, %ne3A_260 : vector<1x1024xi32>
    %lt3A_262 = arith.constant 0 : i32
    %lt3A_263 = vector.broadcast %lt3A_262 : i32 to vector<1x1024xi32>
    %lt3A_264 = arith.cmpi slt, %rem3A_258, %lt3A_263 : vector<1x1024xi32>
    %lt3A_265 = arith.constant 0 : i32
    %lt3A_266 = arith.cmpi slt, %select_n3A_256, %lt3A_265 : i32
    %ne3A_267 = vector.broadcast %lt3A_266 : i1 to vector<1x1024xi1>
    %ne3A_268 = vector.broadcast %ne3A_267 : vector<1x1024xi1> to vector<1x1024xi1>
    %ne3A_269 = arith.xori %lt3A_264, %ne3A_268 : vector<1x1024xi1>
    %and3A_270 = arith.andi %ne3A_269, %ne3A_261 : vector<1x1024xi1>
    %add3A_271 = vector.broadcast %select_n3A_256 : i32 to vector<1x1024xi32>
    %add3A_272 = arith.addi %rem3A_258, %add3A_271 : vector<1x1024xi32>
    %select_n3A_273 = arith.select %and3A_270, %add3A_272, %rem3A_258 : vector<1x1024xi1>, vector<1x1024xi32>
    %eq3A_274 = arith.constant 0 : i32
    %eq3A_275 = vector.broadcast %eq3A_274 : i32 to vector<1x1024xi32>
    %eq3A_276 = arith.cmpi eq, %select_n3A_273, %eq3A_275 : vector<1x1024xi32>
    %jit3A_277 = arith.constant 0.000000e+00 : f32
    %broadcast_in_dim3A_278 = vector.broadcast %jit3A_277 : f32 to vector<1x1024xf32>
    %select_n3A_279 = arith.select %eq3A_276, %broadcast_in_dim3A_278, %concatenate3A_251 : vector<1x1024xi1>, vector<1x1024xf32>
    %add3A_280 = arith.addf %broadcast_in_dim3A_246, %select_n3A_279 : vector<1x1024xf32>
    %slice3A_281 = vector.extract_strided_slice %dot_general3A_244 {offsets = [1, 0], sizes = [1, 1024], strides = [1, 1]} : vector<9x1024xf32> to vector<1x1024xf32>
    %broadcast_in_dim3A_282 = arith.constant 0.000000e+00 : f32
    %broadcast_in_dim3A_283 = vector.broadcast %broadcast_in_dim3A_282 : f32 to vector<1x32xf32>
    %slice3A_284 = vector.extract_strided_slice %slice3A_281 {offsets = [0, 0], sizes = [1, 992], strides = [1, 1]} : vector<1x1024xf32> to vector<1x992xf32>
    %concatenate3A_285 = tpu.concatenate %broadcast_in_dim3A_283, %slice3A_284 in 1 : vector<1x32xf32>, vector<1x992xf32> -> vector<1x1024xf32>
    %add3A_286 = arith.addf %add3A_280, %concatenate3A_285 : vector<1x1024xf32>
    %slice3A_287 = vector.extract_strided_slice %dot_general3A_244 {offsets = [2, 0], sizes = [1, 1024], strides = [1, 1]} : vector<9x1024xf32> to vector<1x1024xf32>
    %broadcast_in_dim3A_288 = arith.constant 0.000000e+00 : f32
    %broadcast_in_dim3A_289 = vector.broadcast %broadcast_in_dim3A_288 : f32 to vector<1x31xf32>
    %slice3A_290 = vector.extract_strided_slice %slice3A_287 {offsets = [0, 0], sizes = [1, 993], strides = [1, 1]} : vector<1x1024xf32> to vector<1x993xf32>
    %concatenate3A_291 = tpu.concatenate %broadcast_in_dim3A_289, %slice3A_290 in 1 : vector<1x31xf32>, vector<1x993xf32> -> vector<1x1024xf32>
    %jit3A_292 = arith.constant 32 : i32
    %eq3A_293 = arith.constant 0 : i32
    %eq3A_294 = arith.cmpi eq, %jit3A_292, %eq3A_293 : i32
    %jit3A_295 = arith.constant 1 : i32
    %select_n3A_296 = arith.select %eq3A_294, %jit3A_295, %jit3A_292 : i32
    %rem3A_297 = vector.broadcast %select_n3A_296 : i32 to vector<1x1024xi32>
    %rem3A_298 = arith.remsi %iota3A, %rem3A_297 : vector<1x1024xi32>
    %ne3A_299 = arith.constant 0 : i32
    %ne3A_300 = vector.broadcast %ne3A_299 : i32 to vector<1x1024xi32>
    %ne3A_301 = arith.cmpi ne, %rem3A_298, %ne3A_300 : vector<1x1024xi32>
    %lt3A_302 = arith.constant 0 : i32
    %lt3A_303 = vector.broadcast %lt3A_302 : i32 to vector<1x1024xi32>
    %lt3A_304 = arith.cmpi slt, %rem3A_298, %lt3A_303 : vector<1x1024xi32>
    %lt3A_305 = arith.constant 0 : i32
    %lt3A_306 = arith.cmpi slt, %select_n3A_296, %lt3A_305 : i32
    %ne3A_307 = vector.broadcast %lt3A_306 : i1 to vector<1x1024xi1>
    %ne3A_308 = vector.broadcast %ne3A_307 : vector<1x1024xi1> to vector<1x1024xi1>
    %ne3A_309 = arith.xori %lt3A_304, %ne3A_308 : vector<1x1024xi1>
    %and3A_310 = arith.andi %ne3A_309, %ne3A_301 : vector<1x1024xi1>
    %add3A_311 = vector.broadcast %select_n3A_296 : i32 to vector<1x1024xi32>
    %add3A_312 = arith.addi %rem3A_298, %add3A_311 : vector<1x1024xi32>
    %select_n3A_313 = arith.select %and3A_310, %add3A_312, %rem3A_298 : vector<1x1024xi1>, vector<1x1024xi32>
    %eq3A_314 = arith.constant 31 : i32
    %eq3A_315 = vector.broadcast %eq3A_314 : i32 to vector<1x1024xi32>
    %eq3A_316 = arith.cmpi eq, %select_n3A_313, %eq3A_315 : vector<1x1024xi32>
    %jit3A_317 = arith.constant 0.000000e+00 : f32
    %broadcast_in_dim3A_318 = vector.broadcast %jit3A_317 : f32 to vector<1x1024xf32>
    %select_n3A_319 = arith.select %eq3A_316, %broadcast_in_dim3A_318, %concatenate3A_291 : vector<1x1024xi1>, vector<1x1024xf32>
    %add3A_320 = arith.addf %add3A_286, %select_n3A_319 : vector<1x1024xf32>
    %slice3A_321 = vector.extract_strided_slice %dot_general3A_244 {offsets = [3, 0], sizes = [1, 1024], strides = [1, 1]} : vector<9x1024xf32> to vector<1x1024xf32>
    %broadcast_in_dim3A_322 = arith.constant 0.000000e+00 : f32
    %broadcast_in_dim3A_323 = vector.broadcast %broadcast_in_dim3A_322 : f32 to vector<1x1xf32>
    %slice3A_324 = vector.extract_strided_slice %slice3A_321 {offsets = [0, 0], sizes = [1, 1023], strides = [1, 1]} : vector<1x1024xf32> to vector<1x1023xf32>
    %concatenate3A_325 = tpu.concatenate %broadcast_in_dim3A_323, %slice3A_324 in 1 : vector<1x1xf32>, vector<1x1023xf32> -> vector<1x1024xf32>
    %jit3A_326 = arith.constant 32 : i32
    %eq3A_327 = arith.constant 0 : i32
    %eq3A_328 = arith.cmpi eq, %jit3A_326, %eq3A_327 : i32
    %jit3A_329 = arith.constant 1 : i32
    %select_n3A_330 = arith.select %eq3A_328, %jit3A_329, %jit3A_326 : i32
    %rem3A_331 = vector.broadcast %select_n3A_330 : i32 to vector<1x1024xi32>
    %rem3A_332 = arith.remsi %iota3A, %rem3A_331 : vector<1x1024xi32>
    %ne3A_333 = arith.constant 0 : i32
    %ne3A_334 = vector.broadcast %ne3A_333 : i32 to vector<1x1024xi32>
    %ne3A_335 = arith.cmpi ne, %rem3A_332, %ne3A_334 : vector<1x1024xi32>
    %lt3A_336 = arith.constant 0 : i32
    %lt3A_337 = vector.broadcast %lt3A_336 : i32 to vector<1x1024xi32>
    %lt3A_338 = arith.cmpi slt, %rem3A_332, %lt3A_337 : vector<1x1024xi32>
    %lt3A_339 = arith.constant 0 : i32
    %lt3A_340 = arith.cmpi slt, %select_n3A_330, %lt3A_339 : i32
    %ne3A_341 = vector.broadcast %lt3A_340 : i1 to vector<1x1024xi1>
    %ne3A_342 = vector.broadcast %ne3A_341 : vector<1x1024xi1> to vector<1x1024xi1>
    %ne3A_343 = arith.xori %lt3A_338, %ne3A_342 : vector<1x1024xi1>
    %and3A_344 = arith.andi %ne3A_343, %ne3A_335 : vector<1x1024xi1>
    %add3A_345 = vector.broadcast %select_n3A_330 : i32 to vector<1x1024xi32>
    %add3A_346 = arith.addi %rem3A_332, %add3A_345 : vector<1x1024xi32>
    %select_n3A_347 = arith.select %and3A_344, %add3A_346, %rem3A_332 : vector<1x1024xi1>, vector<1x1024xi32>
    %eq3A_348 = arith.constant 0 : i32
    %eq3A_349 = vector.broadcast %eq3A_348 : i32 to vector<1x1024xi32>
    %eq3A_350 = arith.cmpi eq, %select_n3A_347, %eq3A_349 : vector<1x1024xi32>
    %jit3A_351 = arith.constant 0.000000e+00 : f32
    %broadcast_in_dim3A_352 = vector.broadcast %jit3A_351 : f32 to vector<1x1024xf32>
    %select_n3A_353 = arith.select %eq3A_350, %broadcast_in_dim3A_352, %concatenate3A_325 : vector<1x1024xi1>, vector<1x1024xf32>
    %add3A_354 = arith.addf %add3A_320, %select_n3A_353 : vector<1x1024xf32>
    %slice3A_355 = vector.extract_strided_slice %dot_general3A_244 {offsets = [4, 0], sizes = [1, 1024], strides = [1, 1]} : vector<9x1024xf32> to vector<1x1024xf32>
    %add3A_356 = arith.addf %add3A_354, %slice3A_355 : vector<1x1024xf32>
    %slice3A_357 = vector.extract_strided_slice %dot_general3A_244 {offsets = [5, 0], sizes = [1, 1024], strides = [1, 1]} : vector<9x1024xf32> to vector<1x1024xf32>
    %slice3A_358 = vector.extract_strided_slice %slice3A_357 {offsets = [0, 1], sizes = [1, 1023], strides = [1, 1]} : vector<1x1024xf32> to vector<1x1023xf32>
    %broadcast_in_dim3A_359 = arith.constant 0.000000e+00 : f32
    %broadcast_in_dim3A_360 = vector.broadcast %broadcast_in_dim3A_359 : f32 to vector<1x1xf32>
    %concatenate3A_361 = tpu.concatenate %slice3A_358, %broadcast_in_dim3A_360 in 1 : vector<1x1023xf32>, vector<1x1xf32> -> vector<1x1024xf32>
    %jit3A_362 = arith.constant 32 : i32
    %eq3A_363 = arith.constant 0 : i32
    %eq3A_364 = arith.cmpi eq, %jit3A_362, %eq3A_363 : i32
    %jit3A_365 = arith.constant 1 : i32
    %select_n3A_366 = arith.select %eq3A_364, %jit3A_365, %jit3A_362 : i32
    %rem3A_367 = vector.broadcast %select_n3A_366 : i32 to vector<1x1024xi32>
    %rem3A_368 = arith.remsi %iota3A, %rem3A_367 : vector<1x1024xi32>
    %ne3A_369 = arith.constant 0 : i32
    %ne3A_370 = vector.broadcast %ne3A_369 : i32 to vector<1x1024xi32>
    %ne3A_371 = arith.cmpi ne, %rem3A_368, %ne3A_370 : vector<1x1024xi32>
    %lt3A_372 = arith.constant 0 : i32
    %lt3A_373 = vector.broadcast %lt3A_372 : i32 to vector<1x1024xi32>
    %lt3A_374 = arith.cmpi slt, %rem3A_368, %lt3A_373 : vector<1x1024xi32>
    %lt3A_375 = arith.constant 0 : i32
    %lt3A_376 = arith.cmpi slt, %select_n3A_366, %lt3A_375 : i32
    %ne3A_377 = vector.broadcast %lt3A_376 : i1 to vector<1x1024xi1>
    %ne3A_378 = vector.broadcast %ne3A_377 : vector<1x1024xi1> to vector<1x1024xi1>
    %ne3A_379 = arith.xori %lt3A_374, %ne3A_378 : vector<1x1024xi1>
    %and3A_380 = arith.andi %ne3A_379, %ne3A_371 : vector<1x1024xi1>
    %add3A_381 = vector.broadcast %select_n3A_366 : i32 to vector<1x1024xi32>
    %add3A_382 = arith.addi %rem3A_368, %add3A_381 : vector<1x1024xi32>
    %select_n3A_383 = arith.select %and3A_380, %add3A_382, %rem3A_368 : vector<1x1024xi1>, vector<1x1024xi32>
    %eq3A_384 = arith.constant 31 : i32
    %eq3A_385 = vector.broadcast %eq3A_384 : i32 to vector<1x1024xi32>
    %eq3A_386 = arith.cmpi eq, %select_n3A_383, %eq3A_385 : vector<1x1024xi32>
    %jit3A_387 = arith.constant 0.000000e+00 : f32
    %broadcast_in_dim3A_388 = vector.broadcast %jit3A_387 : f32 to vector<1x1024xf32>
    %select_n3A_389 = arith.select %eq3A_386, %broadcast_in_dim3A_388, %concatenate3A_361 : vector<1x1024xi1>, vector<1x1024xf32>
    %add3A_390 = arith.addf %add3A_356, %select_n3A_389 : vector<1x1024xf32>
    %slice3A_391 = vector.extract_strided_slice %dot_general3A_244 {offsets = [6, 0], sizes = [1, 1024], strides = [1, 1]} : vector<9x1024xf32> to vector<1x1024xf32>
    %slice3A_392 = vector.extract_strided_slice %slice3A_391 {offsets = [0, 31], sizes = [1, 993], strides = [1, 1]} : vector<1x1024xf32> to vector<1x993xf32>
    %broadcast_in_dim3A_393 = arith.constant 0.000000e+00 : f32
    %broadcast_in_dim3A_394 = vector.broadcast %broadcast_in_dim3A_393 : f32 to vector<1x31xf32>
    %concatenate3A_395 = tpu.concatenate %slice3A_392, %broadcast_in_dim3A_394 in 1 : vector<1x993xf32>, vector<1x31xf32> -> vector<1x1024xf32>
    %jit3A_396 = arith.constant 32 : i32
    %eq3A_397 = arith.constant 0 : i32
    %eq3A_398 = arith.cmpi eq, %jit3A_396, %eq3A_397 : i32
    %jit3A_399 = arith.constant 1 : i32
    %select_n3A_400 = arith.select %eq3A_398, %jit3A_399, %jit3A_396 : i32
    %rem3A_401 = vector.broadcast %select_n3A_400 : i32 to vector<1x1024xi32>
    %rem3A_402 = arith.remsi %iota3A, %rem3A_401 : vector<1x1024xi32>
    %ne3A_403 = arith.constant 0 : i32
    %ne3A_404 = vector.broadcast %ne3A_403 : i32 to vector<1x1024xi32>
    %ne3A_405 = arith.cmpi ne, %rem3A_402, %ne3A_404 : vector<1x1024xi32>
    %lt3A_406 = arith.constant 0 : i32
    %lt3A_407 = vector.broadcast %lt3A_406 : i32 to vector<1x1024xi32>
    %lt3A_408 = arith.cmpi slt, %rem3A_402, %lt3A_407 : vector<1x1024xi32>
    %lt3A_409 = arith.constant 0 : i32
    %lt3A_410 = arith.cmpi slt, %select_n3A_400, %lt3A_409 : i32
    %ne3A_411 = vector.broadcast %lt3A_410 : i1 to vector<1x1024xi1>
    %ne3A_412 = vector.broadcast %ne3A_411 : vector<1x1024xi1> to vector<1x1024xi1>
    %ne3A_413 = arith.xori %lt3A_408, %ne3A_412 : vector<1x1024xi1>
    %and3A_414 = arith.andi %ne3A_413, %ne3A_405 : vector<1x1024xi1>
    %add3A_415 = vector.broadcast %select_n3A_400 : i32 to vector<1x1024xi32>
    %add3A_416 = arith.addi %rem3A_402, %add3A_415 : vector<1x1024xi32>
    %select_n3A_417 = arith.select %and3A_414, %add3A_416, %rem3A_402 : vector<1x1024xi1>, vector<1x1024xi32>
    %eq3A_418 = arith.constant 0 : i32
    %eq3A_419 = vector.broadcast %eq3A_418 : i32 to vector<1x1024xi32>
    %eq3A_420 = arith.cmpi eq, %select_n3A_417, %eq3A_419 : vector<1x1024xi32>
    %jit3A_421 = arith.constant 0.000000e+00 : f32
    %broadcast_in_dim3A_422 = vector.broadcast %jit3A_421 : f32 to vector<1x1024xf32>
    %select_n3A_423 = arith.select %eq3A_420, %broadcast_in_dim3A_422, %concatenate3A_395 : vector<1x1024xi1>, vector<1x1024xf32>
    %add3A_424 = arith.addf %add3A_390, %select_n3A_423 : vector<1x1024xf32>
    %slice3A_425 = vector.extract_strided_slice %dot_general3A_244 {offsets = [7, 0], sizes = [1, 1024], strides = [1, 1]} : vector<9x1024xf32> to vector<1x1024xf32>
    %slice3A_426 = vector.extract_strided_slice %slice3A_425 {offsets = [0, 32], sizes = [1, 992], strides = [1, 1]} : vector<1x1024xf32> to vector<1x992xf32>
    %broadcast_in_dim3A_427 = arith.constant 0.000000e+00 : f32
    %broadcast_in_dim3A_428 = vector.broadcast %broadcast_in_dim3A_427 : f32 to vector<1x32xf32>
    %concatenate3A_429 = tpu.concatenate %slice3A_426, %broadcast_in_dim3A_428 in 1 : vector<1x992xf32>, vector<1x32xf32> -> vector<1x1024xf32>
    %add3A_430 = arith.addf %add3A_424, %concatenate3A_429 : vector<1x1024xf32>
    %slice3A_431 = vector.extract_strided_slice %dot_general3A_244 {offsets = [8, 0], sizes = [1, 1024], strides = [1, 1]} : vector<9x1024xf32> to vector<1x1024xf32>
    %slice3A_432 = vector.extract_strided_slice %slice3A_431 {offsets = [0, 33], sizes = [1, 991], strides = [1, 1]} : vector<1x1024xf32> to vector<1x991xf32>
    %broadcast_in_dim3A_433 = arith.constant 0.000000e+00 : f32
    %broadcast_in_dim3A_434 = vector.broadcast %broadcast_in_dim3A_433 : f32 to vector<1x33xf32>
    %concatenate3A_435 = tpu.concatenate %slice3A_432, %broadcast_in_dim3A_434 in 1 : vector<1x991xf32>, vector<1x33xf32> -> vector<1x1024xf32>
    %jit3A_436 = arith.constant 32 : i32
    %eq3A_437 = arith.constant 0 : i32
    %eq3A_438 = arith.cmpi eq, %jit3A_436, %eq3A_437 : i32
    %jit3A_439 = arith.constant 1 : i32
    %select_n3A_440 = arith.select %eq3A_438, %jit3A_439, %jit3A_436 : i32
    %rem3A_441 = vector.broadcast %select_n3A_440 : i32 to vector<1x1024xi32>
    %rem3A_442 = arith.remsi %iota3A, %rem3A_441 : vector<1x1024xi32>
    %ne3A_443 = arith.constant 0 : i32
    %ne3A_444 = vector.broadcast %ne3A_443 : i32 to vector<1x1024xi32>
    %ne3A_445 = arith.cmpi ne, %rem3A_442, %ne3A_444 : vector<1x1024xi32>
    %lt3A_446 = arith.constant 0 : i32
    %lt3A_447 = vector.broadcast %lt3A_446 : i32 to vector<1x1024xi32>
    %lt3A_448 = arith.cmpi slt, %rem3A_442, %lt3A_447 : vector<1x1024xi32>
    %lt3A_449 = arith.constant 0 : i32
    %lt3A_450 = arith.cmpi slt, %select_n3A_440, %lt3A_449 : i32
    %ne3A_451 = vector.broadcast %lt3A_450 : i1 to vector<1x1024xi1>
    %ne3A_452 = vector.broadcast %ne3A_451 : vector<1x1024xi1> to vector<1x1024xi1>
    %ne3A_453 = arith.xori %lt3A_448, %ne3A_452 : vector<1x1024xi1>
    %and3A_454 = arith.andi %ne3A_453, %ne3A_445 : vector<1x1024xi1>
    %add3A_455 = vector.broadcast %select_n3A_440 : i32 to vector<1x1024xi32>
    %add3A_456 = arith.addi %rem3A_442, %add3A_455 : vector<1x1024xi32>
    %select_n3A_457 = arith.select %and3A_454, %add3A_456, %rem3A_442 : vector<1x1024xi1>, vector<1x1024xi32>
    %eq3A_458 = arith.constant 31 : i32
    %eq3A_459 = vector.broadcast %eq3A_458 : i32 to vector<1x1024xi32>
    %eq3A_460 = arith.cmpi eq, %select_n3A_457, %eq3A_459 : vector<1x1024xi32>
    %jit3A_461 = arith.constant 0.000000e+00 : f32
    %broadcast_in_dim3A_462 = vector.broadcast %jit3A_461 : f32 to vector<1x1024xf32>
    %select_n3A_463 = arith.select %eq3A_460, %broadcast_in_dim3A_462, %concatenate3A_435 : vector<1x1024xi1>, vector<1x1024xf32>
    %add3A_464 = arith.addf %add3A_430, %select_n3A_463 : vector<1x1024xf32>
    %div3A_465 = arith.constant 1.000000e-01 : f32
    %div3A_466 = vector.broadcast %div3A_465 : f32 to vector<1x1024xf32>
    %div3A_467 = arith.divf %add3A_464, %div3A_466 : vector<1x1024xf32>
    %reduce_max3A_468 = vector.shape_cast %div3A_467 : vector<1x1024xf32> to vector<1x1x1024xf32>
    %reduce_max3A_469 = arith.constant dense<0xFF800000> : vector<1xf32>
    %reduce_max3A_470 = vector.multi_reduction <maximumf>, %reduce_max3A_468, %reduce_max3A_469 [1, 2] : vector<1x1x1024xf32> to vector<1xf32>
    %reduce_max3A_471 = vector.shape_cast %reduce_max3A_470 : vector<1xf32> to vector<1x1x1xf32>
    %reduce_max3A_472 = vector.extract %reduce_max3A_471[0, 0, 0] : f32 from vector<1x1x1xf32>
    %sub3A_473 = vector.broadcast %reduce_max3A_472 : f32 to vector<1x1024xf32>
    %sub3A_474 = arith.subf %div3A_467, %sub3A_473 : vector<1x1024xf32>
    %exp3A_475 = math.exp %sub3A_474 : vector<1x1024xf32>
    %reduce_sum3A_476 = vector.shape_cast %exp3A_475 : vector<1x1024xf32> to vector<1x1x1024xf32>
    %reduce_sum3A_477 = arith.constant dense<0.000000e+00> : vector<1xf32>
    %reduce_sum3A_478 = vector.multi_reduction <add>, %reduce_sum3A_476, %reduce_sum3A_477 [1, 2] : vector<1x1x1024xf32> to vector<1xf32>
    %reduce_sum3A_479 = vector.shape_cast %reduce_sum3A_478 : vector<1xf32> to vector<1x1x1xf32>
    %reduce_sum3A_480 = vector.extract %reduce_sum3A_479[0, 0, 0] : f32 from vector<1x1x1xf32>
    %div3A_481 = vector.broadcast %reduce_sum3A_480 : f32 to vector<1x1024xf32>
    %div3A_482 = arith.divf %exp3A_475, %div3A_481 : vector<1x1024xf32>
    %swap3A_483 = arith.constant 1 : index
    %swap3A_484 = arith.constant 0 : index
    %swap3A_485 = arith.constant 0 : index
    %swap3A_486 = vector.load %arg3[%swap3A_483, %swap3A_484, %swap3A_485] : memref<4x1x1024xf32, #tpu.memory_space<vmem>>, vector<1x1x1024xf32>
    %swap3A_487 = vector.shape_cast %swap3A_486 : vector<1x1x1024xf32> to vector<1x1024xf32>
    %swap3A_488 = vector.shape_cast %div3A_482 : vector<1x1024xf32> to vector<1x1x1024xf32>
    tpu.vector_store %arg3[%swap3A_483, %swap3A_484, %swap3A_485], %swap3A_488 {strides = array<i32>} : memref<4x1x1024xf32, #tpu.memory_space<vmem>>, vector<1x1x1024xf32>,
    %get3A_489 = arith.constant 2 : index
    %get3A_490 = arith.constant 0 : index
    %get3A_491 = arith.constant 0 : index
    %get3A_492 = vector.load %arg1[%get3A_489, %get3A_490, %get3A_491] : memref<4x1024x768xf32, #tpu.memory_space<vmem>>, vector<1x1024x768xf32>
    %get3A_493 = vector.shape_cast %get3A_492 : vector<1x1024x768xf32> to vector<1024x768xf32>
    %get3A_494 = arith.constant 0 : index
    %get3A_495 = arith.constant 0 : index
    %get3A_496 = vector.load %arg2[%get3A_494, %get3A_495] : memref<9x768xf32, #tpu.memory_space<vmem>>, vector<9x768xf32>
    %dot_general3A_497 = arith.constant dense<0.000000e+00> : vector<9x1024xf32>
    %dot_general3A_498 = tpu.matmul %get3A_496, %get3A_493, %dot_general3A_497 {dimension_numbers = #tpu.dot_dimension_numbers<[1], [1], [0], [0], [0, 0, 1, 0], [], []>, transpose_lhs_hint = false} : vector<9x768xf32>, vector<1024x768xf32>, vector<9x1024xf32> -> vector<9x1024xf32>
    %broadcast_in_dim3A_499 = arith.constant 0.000000e+00 : f32
    %broadcast_in_dim3A_500 = vector.broadcast %broadcast_in_dim3A_499 : f32 to vector<1x1024xf32>
    %slice3A_501 = vector.extract_strided_slice %dot_general3A_498 {offsets = [0, 0], sizes = [1, 1024], strides = [1, 1]} : vector<9x1024xf32> to vector<1x1024xf32>
    %broadcast_in_dim3A_502 = arith.constant 0.000000e+00 : f32
    %broadcast_in_dim3A_503 = vector.broadcast %broadcast_in_dim3A_502 : f32 to vector<1x33xf32>
    %slice3A_504 = vector.extract_strided_slice %slice3A_501 {offsets = [0, 0], sizes = [1, 991], strides = [1, 1]} : vector<1x1024xf32> to vector<1x991xf32>
    %concatenate3A_505 = tpu.concatenate %broadcast_in_dim3A_503, %slice3A_504 in 1 : vector<1x33xf32>, vector<1x991xf32> -> vector<1x1024xf32>
    %jit3A_506 = arith.constant 32 : i32
    %eq3A_507 = arith.constant 0 : i32
    %eq3A_508 = arith.cmpi eq, %jit3A_506, %eq3A_507 : i32
    %jit3A_509 = arith.constant 1 : i32
    %select_n3A_510 = arith.select %eq3A_508, %jit3A_509, %jit3A_506 : i32
    %rem3A_511 = vector.broadcast %select_n3A_510 : i32 to vector<1x1024xi32>
    %rem3A_512 = arith.remsi %iota3A, %rem3A_511 : vector<1x1024xi32>
    %ne3A_513 = arith.constant 0 : i32
    %ne3A_514 = vector.broadcast %ne3A_513 : i32 to vector<1x1024xi32>
    %ne3A_515 = arith.cmpi ne, %rem3A_512, %ne3A_514 : vector<1x1024xi32>
    %lt3A_516 = arith.constant 0 : i32
    %lt3A_517 = vector.broadcast %lt3A_516 : i32 to vector<1x1024xi32>
    %lt3A_518 = arith.cmpi slt, %rem3A_512, %lt3A_517 : vector<1x1024xi32>
    %lt3A_519 = arith.constant 0 : i32
    %lt3A_520 = arith.cmpi slt, %select_n3A_510, %lt3A_519 : i32
    %ne3A_521 = vector.broadcast %lt3A_520 : i1 to vector<1x1024xi1>
    %ne3A_522 = vector.broadcast %ne3A_521 : vector<1x1024xi1> to vector<1x1024xi1>
    %ne3A_523 = arith.xori %lt3A_518, %ne3A_522 : vector<1x1024xi1>
    %and3A_524 = arith.andi %ne3A_523, %ne3A_515 : vector<1x1024xi1>
    %add3A_525 = vector.broadcast %select_n3A_510 : i32 to vector<1x1024xi32>
    %add3A_526 = arith.addi %rem3A_512, %add3A_525 : vector<1x1024xi32>
    %select_n3A_527 = arith.select %and3A_524, %add3A_526, %rem3A_512 : vector<1x1024xi1>, vector<1x1024xi32>
    %eq3A_528 = arith.constant 0 : i32
    %eq3A_529 = vector.broadcast %eq3A_528 : i32 to vector<1x1024xi32>
    %eq3A_530 = arith.cmpi eq, %select_n3A_527, %eq3A_529 : vector<1x1024xi32>
    %jit3A_531 = arith.constant 0.000000e+00 : f32
    %broadcast_in_dim3A_532 = vector.broadcast %jit3A_531 : f32 to vector<1x1024xf32>
    %select_n3A_533 = arith.select %eq3A_530, %broadcast_in_dim3A_532, %concatenate3A_505 : vector<1x1024xi1>, vector<1x1024xf32>
    %add3A_534 = arith.addf %broadcast_in_dim3A_500, %select_n3A_533 : vector<1x1024xf32>
    %slice3A_535 = vector.extract_strided_slice %dot_general3A_498 {offsets = [1, 0], sizes = [1, 1024], strides = [1, 1]} : vector<9x1024xf32> to vector<1x1024xf32>
    %broadcast_in_dim3A_536 = arith.constant 0.000000e+00 : f32
    %broadcast_in_dim3A_537 = vector.broadcast %broadcast_in_dim3A_536 : f32 to vector<1x32xf32>
    %slice3A_538 = vector.extract_strided_slice %slice3A_535 {offsets = [0, 0], sizes = [1, 992], strides = [1, 1]} : vector<1x1024xf32> to vector<1x992xf32>
    %concatenate3A_539 = tpu.concatenate %broadcast_in_dim3A_537, %slice3A_538 in 1 : vector<1x32xf32>, vector<1x992xf32> -> vector<1x1024xf32>
    %add3A_540 = arith.addf %add3A_534, %concatenate3A_539 : vector<1x1024xf32>
    %slice3A_541 = vector.extract_strided_slice %dot_general3A_498 {offsets = [2, 0], sizes = [1, 1024], strides = [1, 1]} : vector<9x1024xf32> to vector<1x1024xf32>
    %broadcast_in_dim3A_542 = arith.constant 0.000000e+00 : f32
    %broadcast_in_dim3A_543 = vector.broadcast %broadcast_in_dim3A_542 : f32 to vector<1x31xf32>
    %slice3A_544 = vector.extract_strided_slice %slice3A_541 {offsets = [0, 0], sizes = [1, 993], strides = [1, 1]} : vector<1x1024xf32> to vector<1x993xf32>
    %concatenate3A_545 = tpu.concatenate %broadcast_in_dim3A_543, %slice3A_544 in 1 : vector<1x31xf32>, vector<1x993xf32> -> vector<1x1024xf32>
    %jit3A_546 = arith.constant 32 : i32
    %eq3A_547 = arith.constant 0 : i32
    %eq3A_548 = arith.cmpi eq, %jit3A_546, %eq3A_547 : i32
    %jit3A_549 = arith.constant 1 : i32
    %select_n3A_550 = arith.select %eq3A_548, %jit3A_549, %jit3A_546 : i32
    %rem3A_551 = vector.broadcast %select_n3A_550 : i32 to vector<1x1024xi32>
    %rem3A_552 = arith.remsi %iota3A, %rem3A_551 : vector<1x1024xi32>
    %ne3A_553 = arith.constant 0 : i32
    %ne3A_554 = vector.broadcast %ne3A_553 : i32 to vector<1x1024xi32>
    %ne3A_555 = arith.cmpi ne, %rem3A_552, %ne3A_554 : vector<1x1024xi32>
    %lt3A_556 = arith.constant 0 : i32
    %lt3A_557 = vector.broadcast %lt3A_556 : i32 to vector<1x1024xi32>
    %lt3A_558 = arith.cmpi slt, %rem3A_552, %lt3A_557 : vector<1x1024xi32>
    %lt3A_559 = arith.constant 0 : i32
    %lt3A_560 = arith.cmpi slt, %select_n3A_550, %lt3A_559 : i32
    %ne3A_561 = vector.broadcast %lt3A_560 : i1 to vector<1x1024xi1>
    %ne3A_562 = vector.broadcast %ne3A_561 : vector<1x1024xi1> to vector<1x1024xi1>
    %ne3A_563 = arith.xori %lt3A_558, %ne3A_562 : vector<1x1024xi1>
    %and3A_564 = arith.andi %ne3A_563, %ne3A_555 : vector<1x1024xi1>
    %add3A_565 = vector.broadcast %select_n3A_550 : i32 to vector<1x1024xi32>
    %add3A_566 = arith.addi %rem3A_552, %add3A_565 : vector<1x1024xi32>
    %select_n3A_567 = arith.select %and3A_564, %add3A_566, %rem3A_552 : vector<1x1024xi1>, vector<1x1024xi32>
    %eq3A_568 = arith.constant 31 : i32
    %eq3A_569 = vector.broadcast %eq3A_568 : i32 to vector<1x1024xi32>
    %eq3A_570 = arith.cmpi eq, %select_n3A_567, %eq3A_569 : vector<1x1024xi32>
    %jit3A_571 = arith.constant 0.000000e+00 : f32
    %broadcast_in_dim3A_572 = vector.broadcast %jit3A_571 : f32 to vector<1x1024xf32>
    %select_n3A_573 = arith.select %eq3A_570, %broadcast_in_dim3A_572, %concatenate3A_545 : vector<1x1024xi1>, vector<1x1024xf32>
    %add3A_574 = arith.addf %add3A_540, %select_n3A_573 : vector<1x1024xf32>
    %slice3A_575 = vector.extract_strided_slice %dot_general3A_498 {offsets = [3, 0], sizes = [1, 1024], strides = [1, 1]} : vector<9x1024xf32> to vector<1x1024xf32>
    %broadcast_in_dim3A_576 = arith.constant 0.000000e+00 : f32
    %broadcast_in_dim3A_577 = vector.broadcast %broadcast_in_dim3A_576 : f32 to vector<1x1xf32>
    %slice3A_578 = vector.extract_strided_slice %slice3A_575 {offsets = [0, 0], sizes = [1, 1023], strides = [1, 1]} : vector<1x1024xf32> to vector<1x1023xf32>
    %concatenate3A_579 = tpu.concatenate %broadcast_in_dim3A_577, %slice3A_578 in 1 : vector<1x1xf32>, vector<1x1023xf32> -> vector<1x1024xf32>
    %jit3A_580 = arith.constant 32 : i32
    %eq3A_581 = arith.constant 0 : i32
    %eq3A_582 = arith.cmpi eq, %jit3A_580, %eq3A_581 : i32
    %jit3A_583 = arith.constant 1 : i32
    %select_n3A_584 = arith.select %eq3A_582, %jit3A_583, %jit3A_580 : i32
    %rem3A_585 = vector.broadcast %select_n3A_584 : i32 to vector<1x1024xi32>
    %rem3A_586 = arith.remsi %iota3A, %rem3A_585 : vector<1x1024xi32>
    %ne3A_587 = arith.constant 0 : i32
    %ne3A_588 = vector.broadcast %ne3A_587 : i32 to vector<1x1024xi32>
    %ne3A_589 = arith.cmpi ne, %rem3A_586, %ne3A_588 : vector<1x1024xi32>
    %lt3A_590 = arith.constant 0 : i32
    %lt3A_591 = vector.broadcast %lt3A_590 : i32 to vector<1x1024xi32>
    %lt3A_592 = arith.cmpi slt, %rem3A_586, %lt3A_591 : vector<1x1024xi32>
    %lt3A_593 = arith.constant 0 : i32
    %lt3A_594 = arith.cmpi slt, %select_n3A_584, %lt3A_593 : i32
    %ne3A_595 = vector.broadcast %lt3A_594 : i1 to vector<1x1024xi1>
    %ne3A_596 = vector.broadcast %ne3A_595 : vector<1x1024xi1> to vector<1x1024xi1>
    %ne3A_597 = arith.xori %lt3A_592, %ne3A_596 : vector<1x1024xi1>
    %and3A_598 = arith.andi %ne3A_597, %ne3A_589 : vector<1x1024xi1>
    %add3A_599 = vector.broadcast %select_n3A_584 : i32 to vector<1x1024xi32>
    %add3A_600 = arith.addi %rem3A_586, %add3A_599 : vector<1x1024xi32>
    %select_n3A_601 = arith.select %and3A_598, %add3A_600, %rem3A_586 : vector<1x1024xi1>, vector<1x1024xi32>
    %eq3A_602 = arith.constant 0 : i32
    %eq3A_603 = vector.broadcast %eq3A_602 : i32 to vector<1x1024xi32>
    %eq3A_604 = arith.cmpi eq, %select_n3A_601, %eq3A_603 : vector<1x1024xi32>
    %jit3A_605 = arith.constant 0.000000e+00 : f32
    %broadcast_in_dim3A_606 = vector.broadcast %jit3A_605 : f32 to vector<1x1024xf32>
    %select_n3A_607 = arith.select %eq3A_604, %broadcast_in_dim3A_606, %concatenate3A_579 : vector<1x1024xi1>, vector<1x1024xf32>
    %add3A_608 = arith.addf %add3A_574, %select_n3A_607 : vector<1x1024xf32>
    %slice3A_609 = vector.extract_strided_slice %dot_general3A_498 {offsets = [4, 0], sizes = [1, 1024], strides = [1, 1]} : vector<9x1024xf32> to vector<1x1024xf32>
    %add3A_610 = arith.addf %add3A_608, %slice3A_609 : vector<1x1024xf32>
    %slice3A_611 = vector.extract_strided_slice %dot_general3A_498 {offsets = [5, 0], sizes = [1, 1024], strides = [1, 1]} : vector<9x1024xf32> to vector<1x1024xf32>
    %slice3A_612 = vector.extract_strided_slice %slice3A_611 {offsets = [0, 1], sizes = [1, 1023], strides = [1, 1]} : vector<1x1024xf32> to vector<1x1023xf32>
    %broadcast_in_dim3A_613 = arith.constant 0.000000e+00 : f32
    %broadcast_in_dim3A_614 = vector.broadcast %broadcast_in_dim3A_613 : f32 to vector<1x1xf32>
    %concatenate3A_615 = tpu.concatenate %slice3A_612, %broadcast_in_dim3A_614 in 1 : vector<1x1023xf32>, vector<1x1xf32> -> vector<1x1024xf32>
    %jit3A_616 = arith.constant 32 : i32
    %eq3A_617 = arith.constant 0 : i32
    %eq3A_618 = arith.cmpi eq, %jit3A_616, %eq3A_617 : i32
    %jit3A_619 = arith.constant 1 : i32
    %select_n3A_620 = arith.select %eq3A_618, %jit3A_619, %jit3A_616 : i32
    %rem3A_621 = vector.broadcast %select_n3A_620 : i32 to vector<1x1024xi32>
    %rem3A_622 = arith.remsi %iota3A, %rem3A_621 : vector<1x1024xi32>
    %ne3A_623 = arith.constant 0 : i32
    %ne3A_624 = vector.broadcast %ne3A_623 : i32 to vector<1x1024xi32>
    %ne3A_625 = arith.cmpi ne, %rem3A_622, %ne3A_624 : vector<1x1024xi32>
    %lt3A_626 = arith.constant 0 : i32
    %lt3A_627 = vector.broadcast %lt3A_626 : i32 to vector<1x1024xi32>
    %lt3A_628 = arith.cmpi slt, %rem3A_622, %lt3A_627 : vector<1x1024xi32>
    %lt3A_629 = arith.constant 0 : i32
    %lt3A_630 = arith.cmpi slt, %select_n3A_620, %lt3A_629 : i32
    %ne3A_631 = vector.broadcast %lt3A_630 : i1 to vector<1x1024xi1>
    %ne3A_632 = vector.broadcast %ne3A_631 : vector<1x1024xi1> to vector<1x1024xi1>
    %ne3A_633 = arith.xori %lt3A_628, %ne3A_632 : vector<1x1024xi1>
    %and3A_634 = arith.andi %ne3A_633, %ne3A_625 : vector<1x1024xi1>
    %add3A_635 = vector.broadcast %select_n3A_620 : i32 to vector<1x1024xi32>
    %add3A_636 = arith.addi %rem3A_622, %add3A_635 : vector<1x1024xi32>
    %select_n3A_637 = arith.select %and3A_634, %add3A_636, %rem3A_622 : vector<1x1024xi1>, vector<1x1024xi32>
    %eq3A_638 = arith.constant 31 : i32
    %eq3A_639 = vector.broadcast %eq3A_638 : i32 to vector<1x1024xi32>
    %eq3A_640 = arith.cmpi eq, %select_n3A_637, %eq3A_639 : vector<1x1024xi32>
    %jit3A_641 = arith.constant 0.000000e+00 : f32
    %broadcast_in_dim3A_642 = vector.broadcast %jit3A_641 : f32 to vector<1x1024xf32>
    %select_n3A_643 = arith.select %eq3A_640, %broadcast_in_dim3A_642, %concatenate3A_615 : vector<1x1024xi1>, vector<1x1024xf32>
    %add3A_644 = arith.addf %add3A_610, %select_n3A_643 : vector<1x1024xf32>
    %slice3A_645 = vector.extract_strided_slice %dot_general3A_498 {offsets = [6, 0], sizes = [1, 1024], strides = [1, 1]} : vector<9x1024xf32> to vector<1x1024xf32>
    %slice3A_646 = vector.extract_strided_slice %slice3A_645 {offsets = [0, 31], sizes = [1, 993], strides = [1, 1]} : vector<1x1024xf32> to vector<1x993xf32>
    %broadcast_in_dim3A_647 = arith.constant 0.000000e+00 : f32
    %broadcast_in_dim3A_648 = vector.broadcast %broadcast_in_dim3A_647 : f32 to vector<1x31xf32>
    %concatenate3A_649 = tpu.concatenate %slice3A_646, %broadcast_in_dim3A_648 in 1 : vector<1x993xf32>, vector<1x31xf32> -> vector<1x1024xf32>
    %jit3A_650 = arith.constant 32 : i32
    %eq3A_651 = arith.constant 0 : i32
    %eq3A_652 = arith.cmpi eq, %jit3A_650, %eq3A_651 : i32
    %jit3A_653 = arith.constant 1 : i32
    %select_n3A_654 = arith.select %eq3A_652, %jit3A_653, %jit3A_650 : i32
    %rem3A_655 = vector.broadcast %select_n3A_654 : i32 to vector<1x1024xi32>
    %rem3A_656 = arith.remsi %iota3A, %rem3A_655 : vector<1x1024xi32>
    %ne3A_657 = arith.constant 0 : i32
    %ne3A_658 = vector.broadcast %ne3A_657 : i32 to vector<1x1024xi32>
    %ne3A_659 = arith.cmpi ne, %rem3A_656, %ne3A_658 : vector<1x1024xi32>
    %lt3A_660 = arith.constant 0 : i32
    %lt3A_661 = vector.broadcast %lt3A_660 : i32 to vector<1x1024xi32>
    %lt3A_662 = arith.cmpi slt, %rem3A_656, %lt3A_661 : vector<1x1024xi32>
    %lt3A_663 = arith.constant 0 : i32
    %lt3A_664 = arith.cmpi slt, %select_n3A_654, %lt3A_663 : i32
    %ne3A_665 = vector.broadcast %lt3A_664 : i1 to vector<1x1024xi1>
    %ne3A_666 = vector.broadcast %ne3A_665 : vector<1x1024xi1> to vector<1x1024xi1>
    %ne3A_667 = arith.xori %lt3A_662, %ne3A_666 : vector<1x1024xi1>
    %and3A_668 = arith.andi %ne3A_667, %ne3A_659 : vector<1x1024xi1>
    %add3A_669 = vector.broadcast %select_n3A_654 : i32 to vector<1x1024xi32>
    %add3A_670 = arith.addi %rem3A_656, %add3A_669 : vector<1x1024xi32>
    %select_n3A_671 = arith.select %and3A_668, %add3A_670, %rem3A_656 : vector<1x1024xi1>, vector<1x1024xi32>
    %eq3A_672 = arith.constant 0 : i32
    %eq3A_673 = vector.broadcast %eq3A_672 : i32 to vector<1x1024xi32>
    %eq3A_674 = arith.cmpi eq, %select_n3A_671, %eq3A_673 : vector<1x1024xi32>
    %jit3A_675 = arith.constant 0.000000e+00 : f32
    %broadcast_in_dim3A_676 = vector.broadcast %jit3A_675 : f32 to vector<1x1024xf32>
    %select_n3A_677 = arith.select %eq3A_674, %broadcast_in_dim3A_676, %concatenate3A_649 : vector<1x1024xi1>, vector<1x1024xf32>
    %add3A_678 = arith.addf %add3A_644, %select_n3A_677 : vector<1x1024xf32>
    %slice3A_679 = vector.extract_strided_slice %dot_general3A_498 {offsets = [7, 0], sizes = [1, 1024], strides = [1, 1]} : vector<9x1024xf32> to vector<1x1024xf32>
    %slice3A_680 = vector.extract_strided_slice %slice3A_679 {offsets = [0, 32], sizes = [1, 992], strides = [1, 1]} : vector<1x1024xf32> to vector<1x992xf32>
    %broadcast_in_dim3A_681 = arith.constant 0.000000e+00 : f32
    %broadcast_in_dim3A_682 = vector.broadcast %broadcast_in_dim3A_681 : f32 to vector<1x32xf32>
    %concatenate3A_683 = tpu.concatenate %slice3A_680, %broadcast_in_dim3A_682 in 1 : vector<1x992xf32>, vector<1x32xf32> -> vector<1x1024xf32>
    %add3A_684 = arith.addf %add3A_678, %concatenate3A_683 : vector<1x1024xf32>
    %slice3A_685 = vector.extract_strided_slice %dot_general3A_498 {offsets = [8, 0], sizes = [1, 1024], strides = [1, 1]} : vector<9x1024xf32> to vector<1x1024xf32>
    %slice3A_686 = vector.extract_strided_slice %slice3A_685 {offsets = [0, 33], sizes = [1, 991], strides = [1, 1]} : vector<1x1024xf32> to vector<1x991xf32>
    %broadcast_in_dim3A_687 = arith.constant 0.000000e+00 : f32
    %broadcast_in_dim3A_688 = vector.broadcast %broadcast_in_dim3A_687 : f32 to vector<1x33xf32>
    %concatenate3A_689 = tpu.concatenate %slice3A_686, %broadcast_in_dim3A_688 in 1 : vector<1x991xf32>, vector<1x33xf32> -> vector<1x1024xf32>
    %jit3A_690 = arith.constant 32 : i32
    %eq3A_691 = arith.constant 0 : i32
    %eq3A_692 = arith.cmpi eq, %jit3A_690, %eq3A_691 : i32
    %jit3A_693 = arith.constant 1 : i32
    %select_n3A_694 = arith.select %eq3A_692, %jit3A_693, %jit3A_690 : i32
    %rem3A_695 = vector.broadcast %select_n3A_694 : i32 to vector<1x1024xi32>
    %rem3A_696 = arith.remsi %iota3A, %rem3A_695 : vector<1x1024xi32>
    %ne3A_697 = arith.constant 0 : i32
    %ne3A_698 = vector.broadcast %ne3A_697 : i32 to vector<1x1024xi32>
    %ne3A_699 = arith.cmpi ne, %rem3A_696, %ne3A_698 : vector<1x1024xi32>
    %lt3A_700 = arith.constant 0 : i32
    %lt3A_701 = vector.broadcast %lt3A_700 : i32 to vector<1x1024xi32>
    %lt3A_702 = arith.cmpi slt, %rem3A_696, %lt3A_701 : vector<1x1024xi32>
    %lt3A_703 = arith.constant 0 : i32
    %lt3A_704 = arith.cmpi slt, %select_n3A_694, %lt3A_703 : i32
    %ne3A_705 = vector.broadcast %lt3A_704 : i1 to vector<1x1024xi1>
    %ne3A_706 = vector.broadcast %ne3A_705 : vector<1x1024xi1> to vector<1x1024xi1>
    %ne3A_707 = arith.xori %lt3A_702, %ne3A_706 : vector<1x1024xi1>
    %and3A_708 = arith.andi %ne3A_707, %ne3A_699 : vector<1x1024xi1>
    %add3A_709 = vector.broadcast %select_n3A_694 : i32 to vector<1x1024xi32>
    %add3A_710 = arith.addi %rem3A_696, %add3A_709 : vector<1x1024xi32>
    %select_n3A_711 = arith.select %and3A_708, %add3A_710, %rem3A_696 : vector<1x1024xi1>, vector<1x1024xi32>
    %eq3A_712 = arith.constant 31 : i32
    %eq3A_713 = vector.broadcast %eq3A_712 : i32 to vector<1x1024xi32>
    %eq3A_714 = arith.cmpi eq, %select_n3A_711, %eq3A_713 : vector<1x1024xi32>
    %jit3A_715 = arith.constant 0.000000e+00 : f32
    %broadcast_in_dim3A_716 = vector.broadcast %jit3A_715 : f32 to vector<1x1024xf32>
    %select_n3A_717 = arith.select %eq3A_714, %broadcast_in_dim3A_716, %concatenate3A_689 : vector<1x1024xi1>, vector<1x1024xf32>
    %add3A_718 = arith.addf %add3A_684, %select_n3A_717 : vector<1x1024xf32>
    %div3A_719 = arith.constant 1.000000e-01 : f32
    %div3A_720 = vector.broadcast %div3A_719 : f32 to vector<1x1024xf32>
    %div3A_721 = arith.divf %add3A_718, %div3A_720 : vector<1x1024xf32>
    %reduce_max3A_722 = vector.shape_cast %div3A_721 : vector<1x1024xf32> to vector<1x1x1024xf32>
    %reduce_max3A_723 = arith.constant dense<0xFF800000> : vector<1xf32>
    %reduce_max3A_724 = vector.multi_reduction <maximumf>, %reduce_max3A_722, %reduce_max3A_723 [1, 2] : vector<1x1x1024xf32> to vector<1xf32>
    %reduce_max3A_725 = vector.shape_cast %reduce_max3A_724 : vector<1xf32> to vector<1x1x1xf32>
    %reduce_max3A_726 = vector.extract %reduce_max3A_725[0, 0, 0] : f32 from vector<1x1x1xf32>
    %sub3A_727 = vector.broadcast %reduce_max3A_726 : f32 to vector<1x1024xf32>
    %sub3A_728 = arith.subf %div3A_721, %sub3A_727 : vector<1x1024xf32>
    %exp3A_729 = math.exp %sub3A_728 : vector<1x1024xf32>
    %reduce_sum3A_730 = vector.shape_cast %exp3A_729 : vector<1x1024xf32> to vector<1x1x1024xf32>
    %reduce_sum3A_731 = arith.constant dense<0.000000e+00> : vector<1xf32>
    %reduce_sum3A_732 = vector.multi_reduction <add>, %reduce_sum3A_730, %reduce_sum3A_731 [1, 2] : vector<1x1x1024xf32> to vector<1xf32>
    %reduce_sum3A_733 = vector.shape_cast %reduce_sum3A_732 : vector<1xf32> to vector<1x1x1xf32>
    %reduce_sum3A_734 = vector.extract %reduce_sum3A_733[0, 0, 0] : f32 from vector<1x1x1xf32>
    %div3A_735 = vector.broadcast %reduce_sum3A_734 : f32 to vector<1x1024xf32>
    %div3A_736 = arith.divf %exp3A_729, %div3A_735 : vector<1x1024xf32>
    %swap3A_737 = arith.constant 2 : index
    %swap3A_738 = arith.constant 0 : index
    %swap3A_739 = arith.constant 0 : index
    %swap3A_740 = vector.load %arg3[%swap3A_737, %swap3A_738, %swap3A_739] : memref<4x1x1024xf32, #tpu.memory_space<vmem>>, vector<1x1x1024xf32>
    %swap3A_741 = vector.shape_cast %swap3A_740 : vector<1x1x1024xf32> to vector<1x1024xf32>
    %swap3A_742 = vector.shape_cast %div3A_736 : vector<1x1024xf32> to vector<1x1x1024xf32>
    tpu.vector_store %arg3[%swap3A_737, %swap3A_738, %swap3A_739], %swap3A_742 {strides = array<i32>} : memref<4x1x1024xf32, #tpu.memory_space<vmem>>, vector<1x1x1024xf32>,
    %get3A_743 = arith.constant 3 : index
    %get3A_744 = arith.constant 0 : index
    %get3A_745 = arith.constant 0 : index
    %get3A_746 = vector.load %arg1[%get3A_743, %get3A_744, %get3A_745] : memref<4x1024x768xf32, #tpu.memory_space<vmem>>, vector<1x1024x768xf32>
    %get3A_747 = vector.shape_cast %get3A_746 : vector<1x1024x768xf32> to vector<1024x768xf32>
    %get3A_748 = arith.constant 0 : index
    %get3A_749 = arith.constant 0 : index
    %get3A_750 = vector.load %arg2[%get3A_748, %get3A_749] : memref<9x768xf32, #tpu.memory_space<vmem>>, vector<9x768xf32>
    %dot_general3A_751 = arith.constant dense<0.000000e+00> : vector<9x1024xf32>
    %dot_general3A_752 = tpu.matmul %get3A_750, %get3A_747, %dot_general3A_751 {dimension_numbers = #tpu.dot_dimension_numbers<[1], [1], [0], [0], [0, 0, 1, 0], [], []>, transpose_lhs_hint = false} : vector<9x768xf32>, vector<1024x768xf32>, vector<9x1024xf32> -> vector<9x1024xf32>
    %broadcast_in_dim3A_753 = arith.constant 0.000000e+00 : f32
    %broadcast_in_dim3A_754 = vector.broadcast %broadcast_in_dim3A_753 : f32 to vector<1x1024xf32>
    %slice3A_755 = vector.extract_strided_slice %dot_general3A_752 {offsets = [0, 0], sizes = [1, 1024], strides = [1, 1]} : vector<9x1024xf32> to vector<1x1024xf32>
    %broadcast_in_dim3A_756 = arith.constant 0.000000e+00 : f32
    %broadcast_in_dim3A_757 = vector.broadcast %broadcast_in_dim3A_756 : f32 to vector<1x33xf32>
    %slice3A_758 = vector.extract_strided_slice %slice3A_755 {offsets = [0, 0], sizes = [1, 991], strides = [1, 1]} : vector<1x1024xf32> to vector<1x991xf32>
    %concatenate3A_759 = tpu.concatenate %broadcast_in_dim3A_757, %slice3A_758 in 1 : vector<1x33xf32>, vector<1x991xf32> -> vector<1x1024xf32>
    %jit3A_760 = arith.constant 32 : i32
    %eq3A_761 = arith.constant 0 : i32
    %eq3A_762 = arith.cmpi eq, %jit3A_760, %eq3A_761 : i32
    %jit3A_763 = arith.constant 1 : i32
    %select_n3A_764 = arith.select %eq3A_762, %jit3A_763, %jit3A_760 : i32
    %rem3A_765 = vector.broadcast %select_n3A_764 : i32 to vector<1x1024xi32>
    %rem3A_766 = arith.remsi %iota3A, %rem3A_765 : vector<1x1024xi32>
    %ne3A_767 = arith.constant 0 : i32
    %ne3A_768 = vector.broadcast %ne3A_767 : i32 to vector<1x1024xi32>
    %ne3A_769 = arith.cmpi ne, %rem3A_766, %ne3A_768 : vector<1x1024xi32>
    %lt3A_770 = arith.constant 0 : i32
    %lt3A_771 = vector.broadcast %lt3A_770 : i32 to vector<1x1024xi32>
    %lt3A_772 = arith.cmpi slt, %rem3A_766, %lt3A_771 : vector<1x1024xi32>
    %lt3A_773 = arith.constant 0 : i32
    %lt3A_774 = arith.cmpi slt, %select_n3A_764, %lt3A_773 : i32
    %ne3A_775 = vector.broadcast %lt3A_774 : i1 to vector<1x1024xi1>
    %ne3A_776 = vector.broadcast %ne3A_775 : vector<1x1024xi1> to vector<1x1024xi1>
    %ne3A_777 = arith.xori %lt3A_772, %ne3A_776 : vector<1x1024xi1>
    %and3A_778 = arith.andi %ne3A_777, %ne3A_769 : vector<1x1024xi1>
    %add3A_779 = vector.broadcast %select_n3A_764 : i32 to vector<1x1024xi32>
    %add3A_780 = arith.addi %rem3A_766, %add3A_779 : vector<1x1024xi32>
    %select_n3A_781 = arith.select %and3A_778, %add3A_780, %rem3A_766 : vector<1x1024xi1>, vector<1x1024xi32>
    %eq3A_782 = arith.constant 0 : i32
    %eq3A_783 = vector.broadcast %eq3A_782 : i32 to vector<1x1024xi32>
    %eq3A_784 = arith.cmpi eq, %select_n3A_781, %eq3A_783 : vector<1x1024xi32>
    %jit3A_785 = arith.constant 0.000000e+00 : f32
    %broadcast_in_dim3A_786 = vector.broadcast %jit3A_785 : f32 to vector<1x1024xf32>
    %select_n3A_787 = arith.select %eq3A_784, %broadcast_in_dim3A_786, %concatenate3A_759 : vector<1x1024xi1>, vector<1x1024xf32>
    %add3A_788 = arith.addf %broadcast_in_dim3A_754, %select_n3A_787 : vector<1x1024xf32>
    %slice3A_789 = vector.extract_strided_slice %dot_general3A_752 {offsets = [1, 0], sizes = [1, 1024], strides = [1, 1]} : vector<9x1024xf32> to vector<1x1024xf32>
    %broadcast_in_dim3A_790 = arith.constant 0.000000e+00 : f32
    %broadcast_in_dim3A_791 = vector.broadcast %broadcast_in_dim3A_790 : f32 to vector<1x32xf32>
    %slice3A_792 = vector.extract_strided_slice %slice3A_789 {offsets = [0, 0], sizes = [1, 992], strides = [1, 1]} : vector<1x1024xf32> to vector<1x992xf32>
    %concatenate3A_793 = tpu.concatenate %broadcast_in_dim3A_791, %slice3A_792 in 1 : vector<1x32xf32>, vector<1x992xf32> -> vector<1x1024xf32>
    %add3A_794 = arith.addf %add3A_788, %concatenate3A_793 : vector<1x1024xf32>
    %slice3A_795 = vector.extract_strided_slice %dot_general3A_752 {offsets = [2, 0], sizes = [1, 1024], strides = [1, 1]} : vector<9x1024xf32> to vector<1x1024xf32>
    %broadcast_in_dim3A_796 = arith.constant 0.000000e+00 : f32
    %broadcast_in_dim3A_797 = vector.broadcast %broadcast_in_dim3A_796 : f32 to vector<1x31xf32>
    %slice3A_798 = vector.extract_strided_slice %slice3A_795 {offsets = [0, 0], sizes = [1, 993], strides = [1, 1]} : vector<1x1024xf32> to vector<1x993xf32>
    %concatenate3A_799 = tpu.concatenate %broadcast_in_dim3A_797, %slice3A_798 in 1 : vector<1x31xf32>, vector<1x993xf32> -> vector<1x1024xf32>
    %jit3A_800 = arith.constant 32 : i32
    %eq3A_801 = arith.constant 0 : i32
    %eq3A_802 = arith.cmpi eq, %jit3A_800, %eq3A_801 : i32
    %jit3A_803 = arith.constant 1 : i32
    %select_n3A_804 = arith.select %eq3A_802, %jit3A_803, %jit3A_800 : i32
    %rem3A_805 = vector.broadcast %select_n3A_804 : i32 to vector<1x1024xi32>
    %rem3A_806 = arith.remsi %iota3A, %rem3A_805 : vector<1x1024xi32>
    %ne3A_807 = arith.constant 0 : i32
    %ne3A_808 = vector.broadcast %ne3A_807 : i32 to vector<1x1024xi32>
    %ne3A_809 = arith.cmpi ne, %rem3A_806, %ne3A_808 : vector<1x1024xi32>
    %lt3A_810 = arith.constant 0 : i32
    %lt3A_811 = vector.broadcast %lt3A_810 : i32 to vector<1x1024xi32>
    %lt3A_812 = arith.cmpi slt, %rem3A_806, %lt3A_811 : vector<1x1024xi32>
    %lt3A_813 = arith.constant 0 : i32
    %lt3A_814 = arith.cmpi slt, %select_n3A_804, %lt3A_813 : i32
    %ne3A_815 = vector.broadcast %lt3A_814 : i1 to vector<1x1024xi1>
    %ne3A_816 = vector.broadcast %ne3A_815 : vector<1x1024xi1> to vector<1x1024xi1>
    %ne3A_817 = arith.xori %lt3A_812, %ne3A_816 : vector<1x1024xi1>
    %and3A_818 = arith.andi %ne3A_817, %ne3A_809 : vector<1x1024xi1>
    %add3A_819 = vector.broadcast %select_n3A_804 : i32 to vector<1x1024xi32>
    %add3A_820 = arith.addi %rem3A_806, %add3A_819 : vector<1x1024xi32>
    %select_n3A_821 = arith.select %and3A_818, %add3A_820, %rem3A_806 : vector<1x1024xi1>, vector<1x1024xi32>
    %eq3A_822 = arith.constant 31 : i32
    %eq3A_823 = vector.broadcast %eq3A_822 : i32 to vector<1x1024xi32>
    %eq3A_824 = arith.cmpi eq, %select_n3A_821, %eq3A_823 : vector<1x1024xi32>
    %jit3A_825 = arith.constant 0.000000e+00 : f32
    %broadcast_in_dim3A_826 = vector.broadcast %jit3A_825 : f32 to vector<1x1024xf32>
    %select_n3A_827 = arith.select %eq3A_824, %broadcast_in_dim3A_826, %concatenate3A_799 : vector<1x1024xi1>, vector<1x1024xf32>
    %add3A_828 = arith.addf %add3A_794, %select_n3A_827 : vector<1x1024xf32>
    %slice3A_829 = vector.extract_strided_slice %dot_general3A_752 {offsets = [3, 0], sizes = [1, 1024], strides = [1, 1]} : vector<9x1024xf32> to vector<1x1024xf32>
    %broadcast_in_dim3A_830 = arith.constant 0.000000e+00 : f32
    %broadcast_in_dim3A_831 = vector.broadcast %broadcast_in_dim3A_830 : f32 to vector<1x1xf32>
    %slice3A_832 = vector.extract_strided_slice %slice3A_829 {offsets = [0, 0], sizes = [1, 1023], strides = [1, 1]} : vector<1x1024xf32> to vector<1x1023xf32>
    %concatenate3A_833 = tpu.concatenate %broadcast_in_dim3A_831, %slice3A_832 in 1 : vector<1x1xf32>, vector<1x1023xf32> -> vector<1x1024xf32>
    %jit3A_834 = arith.constant 32 : i32
    %eq3A_835 = arith.constant 0 : i32
    %eq3A_836 = arith.cmpi eq, %jit3A_834, %eq3A_835 : i32
    %jit3A_837 = arith.constant 1 : i32
    %select_n3A_838 = arith.select %eq3A_836, %jit3A_837, %jit3A_834 : i32
    %rem3A_839 = vector.broadcast %select_n3A_838 : i32 to vector<1x1024xi32>
    %rem3A_840 = arith.remsi %iota3A, %rem3A_839 : vector<1x1024xi32>
    %ne3A_841 = arith.constant 0 : i32
    %ne3A_842 = vector.broadcast %ne3A_841 : i32 to vector<1x1024xi32>
    %ne3A_843 = arith.cmpi ne, %rem3A_840, %ne3A_842 : vector<1x1024xi32>
    %lt3A_844 = arith.constant 0 : i32
    %lt3A_845 = vector.broadcast %lt3A_844 : i32 to vector<1x1024xi32>
    %lt3A_846 = arith.cmpi slt, %rem3A_840, %lt3A_845 : vector<1x1024xi32>
    %lt3A_847 = arith.constant 0 : i32
    %lt3A_848 = arith.cmpi slt, %select_n3A_838, %lt3A_847 : i32
    %ne3A_849 = vector.broadcast %lt3A_848 : i1 to vector<1x1024xi1>
    %ne3A_850 = vector.broadcast %ne3A_849 : vector<1x1024xi1> to vector<1x1024xi1>
    %ne3A_851 = arith.xori %lt3A_846, %ne3A_850 : vector<1x1024xi1>
    %and3A_852 = arith.andi %ne3A_851, %ne3A_843 : vector<1x1024xi1>
    %add3A_853 = vector.broadcast %select_n3A_838 : i32 to vector<1x1024xi32>
    %add3A_854 = arith.addi %rem3A_840, %add3A_853 : vector<1x1024xi32>
    %select_n3A_855 = arith.select %and3A_852, %add3A_854, %rem3A_840 : vector<1x1024xi1>, vector<1x1024xi32>
    %eq3A_856 = arith.constant 0 : i32
    %eq3A_857 = vector.broadcast %eq3A_856 : i32 to vector<1x1024xi32>
    %eq3A_858 = arith.cmpi eq, %select_n3A_855, %eq3A_857 : vector<1x1024xi32>
    %jit3A_859 = arith.constant 0.000000e+00 : f32
    %broadcast_in_dim3A_860 = vector.broadcast %jit3A_859 : f32 to vector<1x1024xf32>
    %select_n3A_861 = arith.select %eq3A_858, %broadcast_in_dim3A_860, %concatenate3A_833 : vector<1x1024xi1>, vector<1x1024xf32>
    %add3A_862 = arith.addf %add3A_828, %select_n3A_861 : vector<1x1024xf32>
    %slice3A_863 = vector.extract_strided_slice %dot_general3A_752 {offsets = [4, 0], sizes = [1, 1024], strides = [1, 1]} : vector<9x1024xf32> to vector<1x1024xf32>
    %add3A_864 = arith.addf %add3A_862, %slice3A_863 : vector<1x1024xf32>
    %slice3A_865 = vector.extract_strided_slice %dot_general3A_752 {offsets = [5, 0], sizes = [1, 1024], strides = [1, 1]} : vector<9x1024xf32> to vector<1x1024xf32>
    %slice3A_866 = vector.extract_strided_slice %slice3A_865 {offsets = [0, 1], sizes = [1, 1023], strides = [1, 1]} : vector<1x1024xf32> to vector<1x1023xf32>
    %broadcast_in_dim3A_867 = arith.constant 0.000000e+00 : f32
    %broadcast_in_dim3A_868 = vector.broadcast %broadcast_in_dim3A_867 : f32 to vector<1x1xf32>
    %concatenate3A_869 = tpu.concatenate %slice3A_866, %broadcast_in_dim3A_868 in 1 : vector<1x1023xf32>, vector<1x1xf32> -> vector<1x1024xf32>
    %jit3A_870 = arith.constant 32 : i32
    %eq3A_871 = arith.constant 0 : i32
    %eq3A_872 = arith.cmpi eq, %jit3A_870, %eq3A_871 : i32
    %jit3A_873 = arith.constant 1 : i32
    %select_n3A_874 = arith.select %eq3A_872, %jit3A_873, %jit3A_870 : i32
    %rem3A_875 = vector.broadcast %select_n3A_874 : i32 to vector<1x1024xi32>
    %rem3A_876 = arith.remsi %iota3A, %rem3A_875 : vector<1x1024xi32>
    %ne3A_877 = arith.constant 0 : i32
    %ne3A_878 = vector.broadcast %ne3A_877 : i32 to vector<1x1024xi32>
    %ne3A_879 = arith.cmpi ne, %rem3A_876, %ne3A_878 : vector<1x1024xi32>
    %lt3A_880 = arith.constant 0 : i32
    %lt3A_881 = vector.broadcast %lt3A_880 : i32 to vector<1x1024xi32>
    %lt3A_882 = arith.cmpi slt, %rem3A_876, %lt3A_881 : vector<1x1024xi32>
    %lt3A_883 = arith.constant 0 : i32
    %lt3A_884 = arith.cmpi slt, %select_n3A_874, %lt3A_883 : i32
    %ne3A_885 = vector.broadcast %lt3A_884 : i1 to vector<1x1024xi1>
    %ne3A_886 = vector.broadcast %ne3A_885 : vector<1x1024xi1> to vector<1x1024xi1>
    %ne3A_887 = arith.xori %lt3A_882, %ne3A_886 : vector<1x1024xi1>
    %and3A_888 = arith.andi %ne3A_887, %ne3A_879 : vector<1x1024xi1>
    %add3A_889 = vector.broadcast %select_n3A_874 : i32 to vector<1x1024xi32>
    %add3A_890 = arith.addi %rem3A_876, %add3A_889 : vector<1x1024xi32>
    %select_n3A_891 = arith.select %and3A_888, %add3A_890, %rem3A_876 : vector<1x1024xi1>, vector<1x1024xi32>
    %eq3A_892 = arith.constant 31 : i32
    %eq3A_893 = vector.broadcast %eq3A_892 : i32 to vector<1x1024xi32>
    %eq3A_894 = arith.cmpi eq, %select_n3A_891, %eq3A_893 : vector<1x1024xi32>
    %jit3A_895 = arith.constant 0.000000e+00 : f32
    %broadcast_in_dim3A_896 = vector.broadcast %jit3A_895 : f32 to vector<1x1024xf32>
    %select_n3A_897 = arith.select %eq3A_894, %broadcast_in_dim3A_896, %concatenate3A_869 : vector<1x1024xi1>, vector<1x1024xf32>
    %add3A_898 = arith.addf %add3A_864, %select_n3A_897 : vector<1x1024xf32>
    %slice3A_899 = vector.extract_strided_slice %dot_general3A_752 {offsets = [6, 0], sizes = [1, 1024], strides = [1, 1]} : vector<9x1024xf32> to vector<1x1024xf32>
    %slice3A_900 = vector.extract_strided_slice %slice3A_899 {offsets = [0, 31], sizes = [1, 993], strides = [1, 1]} : vector<1x1024xf32> to vector<1x993xf32>
    %broadcast_in_dim3A_901 = arith.constant 0.000000e+00 : f32
    %broadcast_in_dim3A_902 = vector.broadcast %broadcast_in_dim3A_901 : f32 to vector<1x31xf32>
    %concatenate3A_903 = tpu.concatenate %slice3A_900, %broadcast_in_dim3A_902 in 1 : vector<1x993xf32>, vector<1x31xf32> -> vector<1x1024xf32>
    %jit3A_904 = arith.constant 32 : i32
    %eq3A_905 = arith.constant 0 : i32
    %eq3A_906 = arith.cmpi eq, %jit3A_904, %eq3A_905 : i32
    %jit3A_907 = arith.constant 1 : i32
    %select_n3A_908 = arith.select %eq3A_906, %jit3A_907, %jit3A_904 : i32
    %rem3A_909 = vector.broadcast %select_n3A_908 : i32 to vector<1x1024xi32>
    %rem3A_910 = arith.remsi %iota3A, %rem3A_909 : vector<1x1024xi32>
    %ne3A_911 = arith.constant 0 : i32
    %ne3A_912 = vector.broadcast %ne3A_911 : i32 to vector<1x1024xi32>
    %ne3A_913 = arith.cmpi ne, %rem3A_910, %ne3A_912 : vector<1x1024xi32>
    %lt3A_914 = arith.constant 0 : i32
    %lt3A_915 = vector.broadcast %lt3A_914 : i32 to vector<1x1024xi32>
    %lt3A_916 = arith.cmpi slt, %rem3A_910, %lt3A_915 : vector<1x1024xi32>
    %lt3A_917 = arith.constant 0 : i32
    %lt3A_918 = arith.cmpi slt, %select_n3A_908, %lt3A_917 : i32
    %ne3A_919 = vector.broadcast %lt3A_918 : i1 to vector<1x1024xi1>
    %ne3A_920 = vector.broadcast %ne3A_919 : vector<1x1024xi1> to vector<1x1024xi1>
    %ne3A_921 = arith.xori %lt3A_916, %ne3A_920 : vector<1x1024xi1>
    %and3A_922 = arith.andi %ne3A_921, %ne3A_913 : vector<1x1024xi1>
    %add3A_923 = vector.broadcast %select_n3A_908 : i32 to vector<1x1024xi32>
    %add3A_924 = arith.addi %rem3A_910, %add3A_923 : vector<1x1024xi32>
    %select_n3A_925 = arith.select %and3A_922, %add3A_924, %rem3A_910 : vector<1x1024xi1>, vector<1x1024xi32>
    %eq3A_926 = arith.constant 0 : i32
    %eq3A_927 = vector.broadcast %eq3A_926 : i32 to vector<1x1024xi32>
    %eq3A_928 = arith.cmpi eq, %select_n3A_925, %eq3A_927 : vector<1x1024xi32>
    %jit3A_929 = arith.constant 0.000000e+00 : f32
    %broadcast_in_dim3A_930 = vector.broadcast %jit3A_929 : f32 to vector<1x1024xf32>
    %select_n3A_931 = arith.select %eq3A_928, %broadcast_in_dim3A_930, %concatenate3A_903 : vector<1x1024xi1>, vector<1x1024xf32>
    %add3A_932 = arith.addf %add3A_898, %select_n3A_931 : vector<1x1024xf32>
    %slice3A_933 = vector.extract_strided_slice %dot_general3A_752 {offsets = [7, 0], sizes = [1, 1024], strides = [1, 1]} : vector<9x1024xf32> to vector<1x1024xf32>
    %slice3A_934 = vector.extract_strided_slice %slice3A_933 {offsets = [0, 32], sizes = [1, 992], strides = [1, 1]} : vector<1x1024xf32> to vector<1x992xf32>
    %broadcast_in_dim3A_935 = arith.constant 0.000000e+00 : f32
    %broadcast_in_dim3A_936 = vector.broadcast %broadcast_in_dim3A_935 : f32 to vector<1x32xf32>
    %concatenate3A_937 = tpu.concatenate %slice3A_934, %broadcast_in_dim3A_936 in 1 : vector<1x992xf32>, vector<1x32xf32> -> vector<1x1024xf32>
    %add3A_938 = arith.addf %add3A_932, %concatenate3A_937 : vector<1x1024xf32>
    %slice3A_939 = vector.extract_strided_slice %dot_general3A_752 {offsets = [8, 0], sizes = [1, 1024], strides = [1, 1]} : vector<9x1024xf32> to vector<1x1024xf32>
    %slice3A_940 = vector.extract_strided_slice %slice3A_939 {offsets = [0, 33], sizes = [1, 991], strides = [1, 1]} : vector<1x1024xf32> to vector<1x991xf32>
    %broadcast_in_dim3A_941 = arith.constant 0.000000e+00 : f32
    %broadcast_in_dim3A_942 = vector.broadcast %broadcast_in_dim3A_941 : f32 to vector<1x33xf32>
    %concatenate3A_943 = tpu.concatenate %slice3A_940, %broadcast_in_dim3A_942 in 1 : vector<1x991xf32>, vector<1x33xf32> -> vector<1x1024xf32>
    %jit3A_944 = arith.constant 32 : i32
    %eq3A_945 = arith.constant 0 : i32
    %eq3A_946 = arith.cmpi eq, %jit3A_944, %eq3A_945 : i32
    %jit3A_947 = arith.constant 1 : i32
    %select_n3A_948 = arith.select %eq3A_946, %jit3A_947, %jit3A_944 : i32
    %rem3A_949 = vector.broadcast %select_n3A_948 : i32 to vector<1x1024xi32>
    %rem3A_950 = arith.remsi %iota3A, %rem3A_949 : vector<1x1024xi32>
    %ne3A_951 = arith.constant 0 : i32
    %ne3A_952 = vector.broadcast %ne3A_951 : i32 to vector<1x1024xi32>
    %ne3A_953 = arith.cmpi ne, %rem3A_950, %ne3A_952 : vector<1x1024xi32>
    %lt3A_954 = arith.constant 0 : i32
    %lt3A_955 = vector.broadcast %lt3A_954 : i32 to vector<1x1024xi32>
    %lt3A_956 = arith.cmpi slt, %rem3A_950, %lt3A_955 : vector<1x1024xi32>
    %lt3A_957 = arith.constant 0 : i32
    %lt3A_958 = arith.cmpi slt, %select_n3A_948, %lt3A_957 : i32
    %ne3A_959 = vector.broadcast %lt3A_958 : i1 to vector<1x1024xi1>
    %ne3A_960 = vector.broadcast %ne3A_959 : vector<1x1024xi1> to vector<1x1024xi1>
    %ne3A_961 = arith.xori %lt3A_956, %ne3A_960 : vector<1x1024xi1>
    %and3A_962 = arith.andi %ne3A_961, %ne3A_953 : vector<1x1024xi1>
    %add3A_963 = vector.broadcast %select_n3A_948 : i32 to vector<1x1024xi32>
    %add3A_964 = arith.addi %rem3A_950, %add3A_963 : vector<1x1024xi32>
    %select_n3A_965 = arith.select %and3A_962, %add3A_964, %rem3A_950 : vector<1x1024xi1>, vector<1x1024xi32>
    %eq3A_966 = arith.constant 31 : i32
    %eq3A_967 = vector.broadcast %eq3A_966 : i32 to vector<1x1024xi32>
    %eq3A_968 = arith.cmpi eq, %select_n3A_965, %eq3A_967 : vector<1x1024xi32>
    %jit3A_969 = arith.constant 0.000000e+00 : f32
    %broadcast_in_dim3A_970 = vector.broadcast %jit3A_969 : f32 to vector<1x1024xf32>
    %select_n3A_971 = arith.select %eq3A_968, %broadcast_in_dim3A_970, %concatenate3A_943 : vector<1x1024xi1>, vector<1x1024xf32>
    %add3A_972 = arith.addf %add3A_938, %select_n3A_971 : vector<1x1024xf32>
    %div3A_973 = arith.constant 1.000000e-01 : f32
    %div3A_974 = vector.broadcast %div3A_973 : f32 to vector<1x1024xf32>
    %div3A_975 = arith.divf %add3A_972, %div3A_974 : vector<1x1024xf32>
    %reduce_max3A_976 = vector.shape_cast %div3A_975 : vector<1x1024xf32> to vector<1x1x1024xf32>
    %reduce_max3A_977 = arith.constant dense<0xFF800000> : vector<1xf32>
    %reduce_max3A_978 = vector.multi_reduction <maximumf>, %reduce_max3A_976, %reduce_max3A_977 [1, 2] : vector<1x1x1024xf32> to vector<1xf32>
    %reduce_max3A_979 = vector.shape_cast %reduce_max3A_978 : vector<1xf32> to vector<1x1x1xf32>
    %reduce_max3A_980 = vector.extract %reduce_max3A_979[0, 0, 0] : f32 from vector<1x1x1xf32>
    %sub3A_981 = vector.broadcast %reduce_max3A_980 : f32 to vector<1x1024xf32>
    %sub3A_982 = arith.subf %div3A_975, %sub3A_981 : vector<1x1024xf32>
    %exp3A_983 = math.exp %sub3A_982 : vector<1x1024xf32>
    %reduce_sum3A_984 = vector.shape_cast %exp3A_983 : vector<1x1024xf32> to vector<1x1x1024xf32>
    %reduce_sum3A_985 = arith.constant dense<0.000000e+00> : vector<1xf32>
    %reduce_sum3A_986 = vector.multi_reduction <add>, %reduce_sum3A_984, %reduce_sum3A_985 [1, 2] : vector<1x1x1024xf32> to vector<1xf32>
    %reduce_sum3A_987 = vector.shape_cast %reduce_sum3A_986 : vector<1xf32> to vector<1x1x1xf32>
    %reduce_sum3A_988 = vector.extract %reduce_sum3A_987[0, 0, 0] : f32 from vector<1x1x1xf32>
    %div3A_989 = vector.broadcast %reduce_sum3A_988 : f32 to vector<1x1024xf32>
    %div3A_990 = arith.divf %exp3A_983, %div3A_989 : vector<1x1024xf32>
    %swap3A_991 = arith.constant 3 : index
    %swap3A_992 = arith.constant 0 : index
    %swap3A_993 = arith.constant 0 : index
    %swap3A_994 = vector.load %arg3[%swap3A_991, %swap3A_992, %swap3A_993] : memref<4x1x1024xf32, #tpu.memory_space<vmem>>, vector<1x1x1024xf32>
    %swap3A_995 = vector.shape_cast %swap3A_994 : vector<1x1x1024xf32> to vector<1x1024xf32>
    %swap3A_996 = vector.shape_cast %div3A_990 : vector<1x1024xf32> to vector<1x1x1024xf32>
    tpu.vector_store %arg3[%swap3A_991, %swap3A_992, %swap3A_993], %swap3A_996 {strides = array<i32>} : memref<4x1x1024xf32, #tpu.memory_space<vmem>>, vector<1x1x1024xf32>,
    return
  }
  func.func @transform_0(%arg0: i32) -> (i32, i32, i32) {
    %c0_i32 = arith.constant 0 : i32
    %c0_i32_0 = arith.constant 0 : i32
    %c0_i32_1 = arith.constant 0 : i32
    return %arg0, %c0_i32, %c0_i32_0 : i32, i32, i32
  }
  func.func @transform_1(%arg0: i32) -> (i32, i32) {
    %c0_i32 = arith.constant 0 : i32
    %c0_i32_0 = arith.constant 0 : i32
    %c0_i32_1 = arith.constant 0 : i32
    return %c0_i32, %c0_i32_0 : i32, i32
  }
  func.func @transform_2(%arg0: i32) -> (i32, i32, i32) {
    %c0_i32 = arith.constant 0 : i32
    %c0_i32_0 = arith.constant 0 : i32
    %c0_i32_1 = arith.constant 0 : i32
    return %arg0, %c0_i32, %c0_i32_0 : i32, i32, i32
  }
}

</mosaic_0001>

<sc_bundles>
// kernel: kernel.5.cloned.1.call-start
scs
__scs_entry_jumppad:
0x0: {  	(pc) =	sbr.rel $0x88, $3  }
0x1: {  	(tag) =	ssettag $0x0;
	lr =	simm.s32 $0x1  }
0x2: {  	[smem:$0x3F9F] =	sst lr;
	_ =	strace $0xD0000000  }
0x3: {  	_ = 	snop  }
0x4: {  	_ = 	snop  }
0x5: {  	_ = 	snop  }
0x6: {  	_ = 	snop  }
0x7: {  	_ = 	snop  }
__scs_overlays_trampoline_lowered:
0x8: {  	[smem:$0x3FAE] =	sst s0  }
0x9: {  	[smem:$0x3FAF] =	sst s1  }
0xa: {  	[smem:$0x3FB0] =	sst s2  }
0xb: {  	[smem:$0x3FB1] =	sst s3  }
0xc: {  	[smem:$0x3FB2] =	sst s4  }
0xd: {  	[smem:$0x3FB3] =	sst s5  }
0xe: {  	[smem:$0x3FB4] =	sst s6  }
0xf: {  	[smem:$0x3FB5] =	sst s7  }
0x10: {  	[smem:$0x3FB6] =	sst s8  }
0x11: {  	[smem:$0x3FB7] =	sst s9;
	s0 =	simm.s32 @!p0 $0x0  }
0x12: {  	s1 =	sld [smem:$0x3F9D];
	s0 =	simm.s32 @p0 $0x1  }
0x13: {  	[smem:$0x3FB8] =	sst s0;
	s0 =	simm.s32 @!p1 $0x0  }
0x14: {  	s2 =	sld [smem:$0x3F9C];
	s0 =	simm.s32 @p1 $0x1  }
0x15: {  	[smem:$0x3FB9] =	sst s0;
	s0 =	simm.s32 @!p2 $0x0  }
0x16: {  	s3 =	sld [smem:$0x3FDB];
	s0 =	simm.s32 @p2 $0x1  }
0x17: {  	s4 =	simm.s32 $0x1BF5;
	[smem:$0x3FBB] =	sst s0  }
0x18: {  	s0 =	sld [smem:$0x3F9E];
	_ =	swait.ge [sflag:s4], $0x0  }
0x19: {  	s7 =	sld [smem:$0x3F9F]  }
0x1a: {  	s8 =	sadd.s32 $0xFFFFE003, lr  }
0x1b: {  	s9 =	sadd.s32 $0xFFFFFEF7, lr;
	s5 =	simm.s32 $0xFFFFFFFF;
	p2 =	slt.u32 s8, $0xFFFFF086  }
0x1c: {  	p1 =	slt.u32 s9, $0xF7A;
	s5 =	simm.s32 @!p2 $0x0  }
0x1d: {  	s5 =	simm.s32 @p1 $0x1;
	p0 =	seq.s32 s7, s2  }
0x1e: {  	s7 =	smul.u32 @!p0 $0xF7A, s2;
	p2 =	seq.s32 @!p0 s5, $0x0  }
0x1f: {  	s9 =	smul.u32 $0xF7A, s1;
	s8 =	simm.s32 @!p0 $0x1BF5;
	p2 =	por !p2, p0  }
0x20: {  	[sflag:s8] =	ssyncset.s32 @!p0 $0xFFFFF086;
	s6 =	sadd.s32 @!p0 s3, s7;
	s7 =	simm.s32 @!p0 $0x108  }
0x21: {  	s3 =	sadd.s32 s3, s9;
	s6 =	sadd.s32 @!p0 $0x88, s6;
	s7 =	simm.s32 @p2 $0x1082  }
0x22: {  	[simem:s7], [sflag:s8] =	dma.local @!p0 [hbm:s6], $0xF7A  }
0x23: {  	s9 =	sor.u32 $0xD0000000, s2;
	s6 =	simm.s32 $0x108;
	_ =	swait.ge @!p0 [sflag:s8], $0x0  }
0x24: {  	s3 =	sadd.s32 $0x88, s3;
	s6 =	simm.s32 @!p1 $0x1082;
	[sflag:s4] =	ssyncset.s32 $0xFFFFF086  }
0x25: {  	[simem:s6], [sflag:s4] =	dma.local [hbm:s3], $0xF7A  }
0x26: {  	[smem:$0x3F9F] =	sst s1;
	(tag) =	ssettag s2;
	_ =	strace s9  }
0x27: {  	s1 =	sld [smem:$0x3FAF]  }
0x28: {  	s2 =	sld [smem:$0x3FB0]  }
0x29: {  	s4 =	sld [smem:$0x3FB2]  }
0x2a: {  	p0 =	seq.s32 s5, $0x0;
	s5 =	sld [smem:$0x3FB3]  }
0x2b: {  	s6 =	sld [smem:$0x3FB4]  }
0x2c: {  	s7 =	sld [smem:$0x3FB5]  }
0x2d: {  	s3 =	simm.s32 $0x108;
	s8 =	sld [smem:$0x3FB6]  }
0x2e: {  	s3 =	simm.s32 @!p0 $0x1082;
	s9 =	sld [smem:$0x3FB7]  }
0x2f: {  	lr =	sadd.s32 s0, s3;
	s0 =	sld [smem:$0x3FAE]  }
0x30: {  	s3 =	sld [smem:$0x3FB1]  }
0x31: {  	[smem:$0x3FBA] =	sst s10  }
0x32: {  	s10 =	sld [smem:$0x3FB8];
	_ =	sdelay $0x3  }
0x33: {  	p0 =	seq.s32 s10, $0x1;
	s10 =	sld [smem:$0x3FBA];
	_ =	sdelay $0x3  }
0x34: {  	[smem:$0x3FBA] =	sst s10  }
0x35: {  	s10 =	sld [smem:$0x3FB9];
	_ =	sdelay $0x3  }
0x36: {  	p1 =	seq.s32 s10, $0x1;
	s10 =	sld [smem:$0x3FBA];
	_ =	sdelay $0x3  }
0x37: {  	[smem:$0x3FBA] =	sst s10  }
0x38: {  	s10 =	sld [smem:$0x3FBB]  }
0x39: {  	_ = 	snop;
	(pc) =	sbr.ind lr, $3  }
0x3a: {  	_ = 	snop  }
0x3b: {  	_ = 	snop  }
0x3c: {  	p2 =	seq.s32 s10, $0x1;
	s10 =	sld [smem:$0x3FBA]  }
0x3d: {  	_ =	shalt  }
0x3e: {  	_ =	shalt  }
0x3f: {  	_ =	shalt  }
0x40: {  	_ =	shalt  }
0x41: {  	_ =	shalt  }
0x42: {  	_ =	shalt  }
0x43: {  	_ =	shalt  }
0x44: {  	_ =	shalt  }
0x45: {  	_ =	shalt  }
0x46: {  	_ =	shalt  }
0x47: {  	_ =	shalt  }
0x48: {  	_ =	shalt  }
0x49: {  	_ =	shalt  }
0x4a: {  	_ =	shalt  }
0x4b: {  	_ =	shalt  }
0x4c: {  	_ =	shalt  }
0x4d: {  	_ =	shalt  }
0x4e: {  	_ =	shalt  }
0x4f: {  	_ =	shalt  }
0x50: {  	_ =	shalt  }
0x51: {  	_ =	shalt  }
0x52: {  	_ =	shalt  }
0x53: {  	_ =	shalt  }
0x54: {  	_ =	shalt  }
0x55: {  	_ =	shalt  }
0x56: {  	_ =	shalt  }
0x57: {  	_ =	shalt  }
0x58: {  	_ =	shalt  }
0x59: {  	_ =	shalt  }
0x5a: {  	_ =	shalt  }
0x5b: {  	_ =	shalt  }
0x5c: {  	_ =	shalt  }
0x5d: {  	_ =	shalt  }
0x5e: {  	_ =	shalt  }
0x5f: {  	_ =	shalt  }
0x60: {  	_ =	shalt  }
0x61: {  	_ =	shalt  }
0x62: {  	_ =	shalt  }
0x63: {  	_ =	shalt  }
0x64: {  	_ =	shalt  }
0x65: {  	_ =	shalt  }
0x66: {  	_ =	shalt  }
0x67: {  	_ =	shalt  }
0x68: {  	_ =	shalt  }
0x69: {  	_ =	shalt  }
0x6a: {  	_ =	shalt  }
0x6b: {  	_ =	shalt  }
0x6c: {  	_ =	shalt  }
0x6d: {  	_ =	shalt  }
0x6e: {  	_ =	shalt  }
0x6f: {  	_ =	shalt  }
0x70: {  	_ =	shalt  }
0x71: {  	_ =	shalt  }
0x72: {  	_ =	shalt  }
0x73: {  	_ =	shalt  }
0x74: {  	_ =	shalt  }
0x75: {  	_ =	shalt  }
0x76: {  	_ =	shalt  }
0x77: {  	_ =	shalt  }
0x78: {  	_ =	shalt  }
0x79: {  	_ =	shalt  }
0x7a: {  	_ =	shalt  }
0x7b: {  	_ =	shalt  }
0x7c: {  	_ =	shalt  }
0x7d: {  	_ =	shalt  }
0x7e: {  	_ =	shalt  }
0x7f: {  	_ =	shalt  }
0x80: {  	_ =	shalt  }
0x81: {  	_ =	shalt  }
0x82: {  	_ =	shalt  }
0x83: {  	_ =	shalt  }
0x84: {  	_ =	shalt  }
0x85: {  	_ =	shalt  }
0x86: {  	_ =	shalt  }
0x87: {  	_ =	shalt  }
.Lfunc_end0:
.L_simem_size_0:
called_computation_lowered:
.L_overlay_start_0:
0x88: {  	s2 =	sld [smem:$0x3FD9]  }
0x89: {  	s3 =	sld [smem:$0x3FFE];
	_ =	sdelay $0x1  }
0x8a: {  	s1 =	srdreg.scid  }
0x8b: {  	s0 =	sand.u32 $0x1, s1  }
0x8c: {  	s17 =	sshll.u32 s0, $0xA;
	s2 =	sadd.s32 s3, s2  }
0x8d: {  	s2 =	sadd.s32 s2, s17  }
0x8e: {  	[smem:$0x3FC6] =	sst s2  }
0x8f: {  	_ = 	snop  }
0x90: {  	s2 =	sld [smem:$0x3FD0];
	(tm) =	ssettm $0x1  }
0x91: {  	s18 =	sld [smem:$0x3FFB];
	_ =	sdelay $0x3  }
0x92: {  	_ =	strace s18  }
0x93: {  	s3 =	sld [smem:$0x3FFC];
	_ =	sdelay $0x3  }
0x94: {  	_ =	strace s3  }
0x95: {  	s3 =	sld [smem:$0x3FFD];
	_ =	sdelay $0x3  }
0x96: {  	_ =	strace s3  }
0x97: {  	_ =	strace $0x8FFFFFFF  }
0x98: {  	s19 =	sld [smem:$0x3FDB];
	_ =	sdelay $0x1  }
0x99: {  	s4 =	simm.s32 $_scs_section_size  }
0x9a: {  	s5 =	simm.s32 $_size__tile_overlayer_lowered;
	s6 =	simm.s32 $_tile_overlayer_lowered  }
0x9b: {  	s22 =	simm.s32 $0x1BFF;
	s21 =	sshll.u32 s6, $0x1;
	s3 =	sadd.s32 s4, s19  }
0x9c: {  	s7 =	simm.s32 $0x0;
	s20 =	sshll.u32 s5, $0x1;
	s5 =	sadd.s32 s21, s3  }
0x9d: {  	[timem:s7], [sflag:s22] =	dma.local [hbm:s5], s20  }
0x9e: {  	_ =	swait.ge [sflag:s22], s20  }
0x9f: {  	s4 =	ssub.s32 $0x0, s20;
	[sflag:s22] =	ssyncset.done $0x0  }
0xa0: {  	[sflag:s22] =	ssyncadd.s32 s4;
	_ =	sdelay $0x1  }
0xa1: {  	s23 =	simm.s32 $0x1B8B  }
0xa2: {  	_ =	swait.ge [sflag:s23], $0x1  }
0xa3: {  	[sflag:s23] =	ssyncset.done $0x0  }
0xa4: {  	s25 =	simm.s32 $0x1B8E;
	s24 =	sld [smem:$0x3FFE];
	[sflag:s23] =	ssyncadd.s32 $0xFFFFFFFF  }
0xa5: {  	s26 =	simm.s32 $execute0_lowered;
	[smem:$0x3FD2] =	sst s25  }
0xa6: {  	s5 =	sshll.u32 s26, $0x1;
	_ =	strace $0x80000046;
	[dreg:$0x1] =	wrdreg $0xFFFFFFFF  }
0xa7: {  	s28 =	simm.s32 $_size_execute0_lowered;
	s3 =	sadd.s32 s3, s5;
	[dreg:$0x0] =	wrdreg $0x0  }
0xa8: {  	s5 =	sshll.u32 s28, $0x1;
	[dreg:$0x2] =	wrdreg s3  }
0xa9: {  	[dreg:$0x3] =	wrdreg s5  }
0xaa: {  	[dreg:$0x4] =	wrdreg $0xC0  }
0xab: {  	_ =	task [dreg:s7], $0x5FFFF  }
0xac: {  	[dreg:$0x1] =	wrdreg $0xFFFFFFFF  }
0xad: {  	[dreg:$0x0] =	wrdreg $0x60  }
0xae: {  	[dreg:$0x2] =	wrdreg s24  }
0xaf: {  	[dreg:$0x3] =	wrdreg s2  }
0xb0: {  	[dreg:$0x4] =	wrdreg $0x9  }
0xb1: {  	_ =	task.clear_ibuf [dreg:s7], $0x5FFFF;
	_ =	strace $0x90000046  }
0xb2: {  	s29 =	simm.s32 $0x9;
	_ =	strace $0x80000048  }
0xb3: {  	_ =	swait.ge [sflag:s29], $0x1  }
0xb4: {  	[sflag:s29] =	ssyncadd.s32 $0xFFFFFFFF  }
0xb5: {  	_ =	strace $0x90000048  }
0xb6: {  	_ =	sfence  }
0xb7: {  	s30 =	sld [smem:$0x0];
	_ =	sdelay $0x2  }
0xb8: {  	s31 =	sshll.u32 s1, $0xD;
	s1 =	sshrl.u32 s1, $0x2  }
0xb9: {  	s3 =	sand.u32 $0x4000, s31;
	s1 =	sadd.s32 s1, s30  }
0xba: {  	s0 =	sor.u32 s3, s0;
	s1 =	sshll.u32 s1, $0x11  }
0xbb: {  	s0 =	sor.u32 s1, s0  }
0xbc: {  	s0 =	sadd.s32 $0x8F2B, s0  }
0xbd: {  	[sflag:s0] =	ssyncadd.remote.s32 $0x1  }
0xbe: {  	_ =	sfence.sel $0xFFFF  }
0xbf: {  	[dreg:$0x0] =	wrdreg $0xFFFFFFFF;
	(pc) =	sbr.abs _section_cstart, $3  }
0xc0: {  	[dreg:$0x1] =	wrdreg $0xFFFFFFFF  }
0xc1: {  	_ =	task.clear_ibuf [dreg:s7], $0x2FFFF;
	_ =	strace $0x9FFFFFFF  }
0xc2: {  	(tm) =	ssettm $0x7FFFFFFF  }
0xc3: {  	_ =	shalt  }
tec
execute0_lowered:
.L_overlay_start_1:
0x0: {  	(tag) =	ssettag $0x1  }
0x1: {  	s3 =	rddreg [dreg:$0x0]  }
0x2: {  	s5 =	rddreg [dreg:$0x1]  }
0x3: {  	s0 =	rddreg [dreg:$0x2]  }
0x4: {  	s2 =	simm.s32 $0x0;
	s4 =	srdreg.scid;
	s1 =	stileid.u32  }
0x5: {  	s10 =	simm.s32 $0x800;
	s11 =	simm.s32 $0x0;
	[smem:$0x7FF] =	sst s2  }
0x6: {  	s4 =	sand.u32 $0x1, s4;
	s6 =	sshll.u32 s1, $0x8;
	s7 =	sshrl.u32 s1, $0x2  }
0x7: {  	s8 =	sshll.u32 s4, $0x7;
	s6 =	sand.u32 $0x300, s6;
	_ =	strace $0x80000047  }
0x8: {  	s29 =	sshll.u32 s7, $0xD;
	s4 =	ssub.s32 $0x2, s4;
	s6 =	sor.u32 s8, s6  }
0x9: {  	v0 =	vlaneseq.u32;
	v1 =	vimm.s32 $0x1FF;
	s7 =	sshll.u32 s7, $0xE;
	s9 =	sshrl.u32 s4, $0x1;
	s8 =	sor.u32 s29, s6  }
0xa: {  	v0 =	vmul.u32 $0x2, v0;
	s6 =	sor.u32 s7, s6;
	s31 =	ssub.s32 s4, s9;
	s7 =	simm.s32 $0x80  }
0xb: {  	s9 =	simm.s32 $0x1;
	s8 =	sshrl.u32 s8, $0x3;
	s6 =	sshrl.u32 s6, $0x3  }
0xc: {  	v2 =	vimm.s32 $0x0;
	v3 =	vor.u32 $0x1, v0;
	s30 =	sadd.s32 s8, s3;
	s5 =	sadd.s32 s5, s6;
	s6 =	smax.u32 s31, $0x1  }
0xd: {  	v4 =	vor.u32 $0x21, v0;
	v5 =	vor.u32 $0x41, v0;
	v6 =	vor.u32 $0x61, v0;
	s8 =	simm.s32 $0x400;
	s3 =	sadd.s32 $0xA00, s30;
	s4 =	sadd.s32 $0x1A00, s30  }
.LBB2_1:
0xe: {  	[tilespmem:s2], [sflag:$0x1] =	stream.strided.gather [hbm4b:s3+s7], $0x400, s8, s7, $0x38;
	[tilespmem:$0x1000] =	vst v63  }
0xf: {  	_ =	swait.ge [sflag:s9], $0x400  }
0x10: {  	[sflag:s9] =	ssyncset.done $0x0  }
0x11: {  	[sflag:s9] =	ssyncadd.s32 $0xFFFFFC00  }
0x12: {  	[tilespmem:s8], [sflag:$0x1] =	stream.strided.gather [hbm4b:s4+s7], $0x400, s8, s7, $0x38;
	[tilespmem:$0x1000] =	vst v63  }
0x13: {  	_ =	swait.ge [sflag:s9], $0x400  }
0x14: {  	[sflag:s9] =	ssyncset.done $0x0  }
0x15: {  	[sflag:s9] =	ssyncadd.s32 $0xFFFFFC00  }
0x16: {  	s12 =	simm.s32 $0x420;
	v7 =	vld.idx.msk [tilespmem:v1+s2+$0x0], $0xffff  }
0x17: {  	v18 =	vld [tilespmem:s12+$0x10]  }
0x18: {  	v17 =	vld [tilespmem:s12+$0xFFFFFFF0];
	_ =	sdelay $0x2  }
0x19: {  	v15 =	vld [tilespmem:s12+$0x0]  }
0x1a: {  	v16 =	vld [tilespmem:s12+$0xFFFFFFE0];
	vm0 =	vlt.f32 v7, v18  }
0x1b: {  	vm1 =	vlt.f32 v7, v17;
	v8 =	vsel vm0, $0x200, v2  }
0x1c: {  	v9 =	vsel vm1, $0x200, v2;
	v10 =	vor.u32 $0xFF, v8  }
0x1d: {  	v11 =	vor.u32 $0xFF, v9  }
0x1e: {  	vm15 =	vlt.f32 v7, v15  }
0x1f: {  	vm4 =	vlt.f32 v7, v16;
	v7 =	vsel vm15, $0x200, v2  }
0x20: {  	v12 =	vsel vm4, $0x200, v2;
	v13 =	vor.u32 $0xFF, v7  }
0x21: {  	v14 =	vor.u32 $0xFF, v12;
	v10 =	vld.idx.msk [tilespmem:v10+s2+$0x0], $0xffff  }
0x22: {  	v11 =	vld.idx.msk [tilespmem:v11+s2+$0x0], $0xffff;
	_ =	sdelay $0x2  }
0x23: {  	v13 =	vld.idx.msk [tilespmem:v13+s2+$0x0], $0xffff  }
0x24: {  	v19 =	vor.u32 $0x100, v8;
	v14 =	vld.idx.msk [tilespmem:v14+s2+$0x0], $0xffff;
	vm5 =	vlt.f32 v10, v18  }
0x25: {  	v10 =	vor.u32 $0x100, v9;
	vm6 =	vlt.f32 v11, v17;
	v8 =	vsel vm5, v19, v8  }
0x26: {  	v9 =	vsel vm6, v10, v9;
	v10 =	vor.u32 $0x7F, v8  }
0x27: {  	v11 =	vor.u32 $0x7F, v9  }
0x28: {  	vm7 =	vlt.f32 v13, v15;
	v19 =	vor.u32 $0x100, v7  }
0x29: {  	v13 =	vor.u32 $0x100, v12;
	vm8 =	vlt.f32 v14, v16;
	v7 =	vsel vm7, v19, v7  }
0x2a: {  	v12 =	vsel vm8, v13, v12;
	v13 =	vor.u32 $0x7F, v7  }
0x2b: {  	v14 =	vor.u32 $0x7F, v12;
	v10 =	vld.idx.msk [tilespmem:v10+s2+$0x0], $0xffff  }
0x2c: {  	v11 =	vld.idx.msk [tilespmem:v11+s2+$0x0], $0xffff;
	_ =	sdelay $0x2  }
0x2d: {  	v13 =	vld.idx.msk [tilespmem:v13+s2+$0x0], $0xffff  }
0x2e: {  	v19 =	vor.u32 $0x80, v8;
	v14 =	vld.idx.msk [tilespmem:v14+s2+$0x0], $0xffff;
	vm9 =	vlt.f32 v10, v18  }
0x2f: {  	v10 =	vor.u32 $0x80, v9;
	vm10 =	vlt.f32 v11, v17;
	v8 =	vsel vm9, v19, v8  }
0x30: {  	v9 =	vsel vm10, v10, v9;
	v10 =	vor.u32 $0x3F, v8  }
0x31: {  	v11 =	vor.u32 $0x3F, v9  }
0x32: {  	v19 =	vor.u32 $0x80, v7;
	vm11 =	vlt.f32 v13, v15  }
0x33: {  	vm12 =	vlt.f32 v14, v16;
	v13 =	vor.u32 $0x80, v12;
	v7 =	vsel vm11, v19, v7  }
0x34: {  	v12 =	vsel vm12, v13, v12;
	v13 =	vor.u32 $0x3F, v7  }
0x35: {  	v10 =	vld.idx.msk [tilespmem:v10+s2+$0x0], $0xffff  }
0x36: {  	v11 =	vld.idx.msk [tilespmem:v11+s2+$0x0], $0xffff;
	_ =	sdelay $0x2  }
0x37: {  	v13 =	vld.idx.msk [tilespmem:v13+s2+$0x0], $0xffff  }
0x38: {  	v19 =	vor.u32 $0x40, v8;
	vm13 =	vlt.f32 v10, v18;
	v10 =	vor.u32 $0x3F, v12  }
0x39: {  	v14 =	vor.u32 $0x40, v9;
	vm14 =	vlt.f32 v11, v17;
	v8 =	vsel vm13, v19, v8  }
0x3a: {  	v11 =	vsel vm14, v14, v9;
	v9 =	vadd.s32 $0x1F, v8  }
0x3b: {  	v14 =	vadd.s32 $0x1F, v11  }
0x3c: {  	vm15 =	vlt.f32 v13, v15;
	v13 =	vld.idx.msk [tilespmem:v1+s2+$0x0], $0xffff  }
0x3d: {  	s31 =	simm.s32 $0x460;
	v19 =	vld.idx.msk [tilespmem:v10+s2+$0x0], $0xffff  }
0x3e: {  	v10 =	vld [tilespmem:s31+$0x10]  }
0x3f: {  	v20 =	vld.idx.msk [tilespmem:v9+s2+$0x0], $0xffff  }
0x40: {  	v14 =	vld.idx.msk [tilespmem:v14+s2+$0x0], $0xffff;
	v9 =	vor.u32 $0x40, v7  }
0x41: {  	v22 =	vadd.s32 $0x20, v8;
	v21 =	vsel vm15, v9, v7  }
0x42: {  	v7 =	vor.u32 $0x40, v12;
	v9 =	vld [tilespmem:s31+$0xFFFFFFF0];
	vm4 =	vlt.f32 v19, v16;
	v19 =	vadd.s32 $0x1F, v21  }
0x43: {  	v23 =	vadd.s32 $0x20, v11;
	vm7 =	vlt.f32 v13, v10;
	v12 =	vsel vm4, v7, v12;
	v7 =	vld [tilespmem:s31+$0x0]  }
0x44: {  	v24 =	vsel vm7, $0x200, v2;
	vm5 =	vlt.f32 v20, v18;
	v20 =	vadd.s32 $0x1F, v12  }
0x45: {  	vm6 =	vlt.f32 v14, v17;
	v26 =	vor.u32 $0xFF, v24;
	v22 =	vsel vm5, v22, v8  }
0x46: {  	v8 =	vld [tilespmem:s31+$0xFFFFFFE0];
	v11 =	vsel vm6, v23, v11;
	v14 =	vadd.s32 $0xF, v22  }
0x47: {  	vm8 =	vlt.f32 v13, v9;
	v23 =	vadd.s32 $0xF, v11;
	v19 =	vld.idx.msk [tilespmem:v19+s2+$0x0], $0xffff  }
0x48: {  	v25 =	vsel vm8, $0x200, v2;
	vm9 =	vlt.f32 v13, v7  }
0x49: {  	v27 =	vor.u32 $0xFF, v25;
	v20 =	vld.idx.msk [tilespmem:v20+s2+$0x0], $0xffff;
	v28 =	vsel vm9, $0x200, v2  }
0x4a: {  	v26 =	vld.idx.msk [tilespmem:v26+s2+$0x0], $0xffff;
	v29 =	vor.u32 $0xFF, v28  }
0x4b: {  	vm10 =	vlt.f32 v13, v8;
	v14 =	vld.idx.msk [tilespmem:v14+s2+$0x0], $0xffff  }
0x4c: {  	v13 =	vadd.s32 $0x20, v21;
	v23 =	vld.idx.msk [tilespmem:v23+s2+$0x0], $0xffff;
	vm11 =	vlt.f32 v19, v15;
	v19 =	vsel vm10, $0x200, v2  }
0x4d: {  	v30 =	vadd.s32 $0x20, v12;
	v13 =	vsel vm11, v13, v21;
	v21 =	vor.u32 $0xFF, v19  }
0x4e: {  	v32 =	vor.u32 $0x100, v25;
	v31 =	vadd.s32 $0xF, v13;
	vm12 =	vlt.f32 v20, v16;
	v20 =	vld.idx.msk [tilespmem:v27+s2+$0x0], $0xffff  }
0x4f: {  	vm15 =	vlt.f32 v26, v10;
	v12 =	vsel vm12, v30, v12;
	v27 =	vld.idx.msk [tilespmem:v29+s2+$0x0], $0xffff;
	v29 =	vadd.s32 $0x10, v22  }
0x50: {  	vm13 =	vlt.f32 v14, v18;
	v14 =	vor.u32 $0x100, v28;
	v30 =	vadd.s32 $0xF, v12  }
0x51: {  	vm14 =	vlt.f32 v23, v17;
	v22 =	vsel vm13, v29, v22;
	v29 =	vadd.s32 $0x10, v11  }
0x52: {  	v23 =	vadd.s32 $0x7, v22;
	v21 =	vld.idx.msk [tilespmem:v21+s2+$0x0], $0xffff;
	v11 =	vsel vm14, v29, v11;
	v29 =	vor.u32 $0x100, v24  }
0x53: {  	v26 =	vld.idx.msk [tilespmem:v31+s2+$0x0], $0xffff;
	vm4 =	vlt.f32 v20, v9;
	v20 =	vsel vm15, v29, v24;
	v24 =	vadd.s32 $0x7, v11  }
0x54: {  	v25 =	vsel vm4, v32, v25;
	vm5 =	vlt.f32 v27, v7;
	v27 =	vor.u32 $0x7F, v20  }
0x55: {  	v29 =	vld.idx.msk [tilespmem:v30+s2+$0x0], $0xffff;
	v30 =	vor.u32 $0x7F, v25;
	v14 =	vsel vm5, v14, v28  }
0x56: {  	v28 =	vor.u32 $0x7F, v14  }
0x57: {  	v31 =	vor.u32 $0x100, v19;
	v33 =	vor.u32 $0x80, v20;
	v23 =	vld.idx.msk [tilespmem:v23+s2+$0x0], $0xffff  }
0x58: {  	vm6 =	vlt.f32 v21, v8;
	v21 =	vadd.s32 $0x10, v13;
	vm7 =	vlt.f32 v26, v15;
	v24 =	vld.idx.msk [tilespmem:v24+s2+$0x0], $0xffff  }
0x59: {  	v19 =	vsel vm6, v31, v19;
	v26 =	vadd.s32 $0x10, v12;
	v31 =	vor.u32 $0x80, v25;
	v27 =	vld.idx.msk [tilespmem:v27+s2+$0x0], $0xffff  }
0x5a: {  	v13 =	vsel vm7, v21, v13;
	v21 =	vor.u32 $0x7F, v19;
	vm8 =	vlt.f32 v29, v16;
	v29 =	vld.idx.msk [tilespmem:v30+s2+$0x0], $0xffff  }
0x5b: {  	v52 =	vadd.s32 $0x7, v13;
	v12 =	vsel vm8, v26, v12;
	v26 =	vld.idx.msk [tilespmem:v28+s2+$0x0], $0xffff;
	v28 =	vadd.s32 $0x8, v22  }
0x5c: {  	vm9 =	vlt.f32 v23, v18;
	v23 =	vor.u32 $0x80, v14;
	v30 =	vadd.s32 $0x7, v12  }
0x5d: {  	v22 =	vsel vm9, v28, v22;
	v28 =	vadd.s32 $0x8, v11;
	vm10 =	vlt.f32 v24, v17  }
0x5e: {  	v24 =	vadd.s32 $0x3, v22;
	vm11 =	vlt.f32 v27, v10;
	v11 =	vsel vm10, v28, v11  }
0x5f: {  	v21 =	vld.idx.msk [tilespmem:v21+s2+$0x0], $0xffff;
	vm12 =	vlt.f32 v29, v9;
	v20 =	vsel vm11, v33, v20;
	v27 =	vadd.s32 $0x3, v11  }
0x60: {  	v28 =	vld.idx.msk [tilespmem:v52+s2+$0x0], $0xffff;
	v25 =	vsel vm12, v31, v25;
	vm13 =	vlt.f32 v26, v7;
	v26 =	vor.u32 $0x3F, v20  }
0x61: {  	v29 =	vld.idx.msk [tilespmem:v30+s2+$0x0], $0xffff;
	v30 =	vor.u32 $0x3F, v25;
	v14 =	vsel vm13, v23, v14  }
0x62: {  	v23 =	vor.u32 $0x3F, v14  }
0x63: {  	v53 =	vadd.s32 $0x8, v12;
	v35 =	vadd.s32 $0x4, v11;
	v24 =	vld.idx.msk [tilespmem:v24+s2+$0x0], $0xffff  }
0x64: {  	v31 =	vor.u32 $0x80, v19;
	v34 =	vor.u32 $0x40, v14;
	vm14 =	vlt.f32 v21, v8;
	v27 =	vld.idx.msk [tilespmem:v27+s2+$0x0], $0xffff  }
0x65: {  	v21 =	vadd.s32 $0x8, v13;
	v19 =	vsel vm14, v31, v19;
	vm15 =	vlt.f32 v28, v15;
	v26 =	vld.idx.msk [tilespmem:v26+s2+$0x0], $0xffff  }
0x66: {  	v31 =	vor.u32 $0x40, v25;
	v54 =	vor.u32 $0x3F, v19;
	v13 =	vsel vm15, v21, v13;
	v28 =	vld.idx.msk [tilespmem:v30+s2+$0x0], $0xffff  }
0x67: {  	vm4 =	vlt.f32 v29, v16;
	v29 =	vor.u32 $0x40, v20;
	v21 =	vld.idx.msk [tilespmem:v23+s2+$0x0], $0xffff;
	v23 =	vadd.s32 $0x4, v22  }
0x68: {  	v12 =	vsel vm4, v53, v12;
	vm5 =	vlt.f32 v24, v18;
	v24 =	vadd.s32 $0x3, v13  }
0x69: {  	v22 =	vsel vm5, v23, v22;
	v23 =	vadd.s32 $0x3, v12;
	vm6 =	vlt.f32 v27, v17  }
0x6a: {  	v27 =	vadd.s32 $0x1, v22;
	vm7 =	vlt.f32 v26, v10;
	v26 =	vsel vm6, v35, v11  }
0x6b: {  	v11 =	vld.idx.msk [tilespmem:v54+s2+$0x0], $0xffff;
	vm8 =	vlt.f32 v28, v9;
	v20 =	vsel vm7, v29, v20;
	v28 =	vadd.s32 $0x1, v26  }
0x6c: {  	v36 =	vld.idx.msk [tilespmem:v1+s2+$0x0], $0xffff;
	v25 =	vsel vm8, v31, v25;
	vm9 =	vlt.f32 v21, v7;
	v21 =	vadd.s32 $0x1F, v20  }
0x6d: {  	v24 =	vld.idx.msk [tilespmem:v24+s2+$0x0], $0xffff;
	v29 =	vadd.s32 $0x1F, v25;
	v30 =	vsel vm9, v34, v14  }
0x6e: {  	v14 =	vld.idx.msk [tilespmem:v23+s2+$0x0], $0xffff;
	v23 =	vadd.s32 $0x1F, v30  }
0x6f: {  	v27 =	vld.idx.msk [tilespmem:v27+s2+$0x0], $0xffff  }
0x70: {  	v55 =	vadd.s32 $0x4, v13;
	v31 =	vor.u32 $0x40, v19;
	vm10 =	vlt.f32 v11, v8;
	v11 =	vld.idx.msk [tilespmem:v28+s2+$0x0], $0xffff  }
0x71: {  	v39 =	vadd.s32 $0x20, v20;
	v28 =	vadd.s32 $0x4, v12;
	v31 =	vsel vm10, v31, v19;
	v21 =	vld.idx.msk [tilespmem:v21+s2+$0x0], $0xffff  }
0x72: {  	v19 =	vadd.s32 $0x20, v25;
	v56 =	vadd.s32 $0x20, v31;
	vm11 =	vlt.f32 v24, v15;
	v24 =	vld.idx.msk [tilespmem:v29+s2+$0x0], $0xffff  }
0x73: {  	s13 =	simm.s32 $0x4A0;
	v57 =	vadd.s32 $0x1F, v31;
	v29 =	vadd.s32 $0x20, v30;
	vm12 =	vlt.f32 v14, v16;
	v23 =	vld.idx.msk [tilespmem:v23+s2+$0x0], $0xffff  }
0x74: {  	v14 =	vld [tilespmem:s13+$0x10];
	v28 =	vsel vm12, v28, v12;
	v12 =	vadd.s32 $0x2, v22;
	vm13 =	vlt.f32 v27, v18  }
0x75: {  	v32 =	vsel vm11, v55, v13;
	v13 =	vadd.s32 $0x2, v26;
	v22 =	vsel vm13, v12, v22;
	v12 =	vld [tilespmem:s13+$0xFFFFFFF0]  }
0x76: {  	v35 =	vadd.s32 $0x2, v32;
	v37 =	vadd.s32 $0x1, v32;
	vm14 =	vlt.f32 v11, v17;
	v11 =	vld [tilespmem:s13+$0x0]  }
0x77: {  	v27 =	vadd.s32 $0x2, v28;
	vm15 =	vlt.f32 v21, v10;
	v21 =	vsel vm14, v13, v26;
	v13 =	vld [tilespmem:s13+$0xFFFFFFE0]  }
0x78: {  	v38 =	vadd.s32 $0x1, v28;
	v34 =	vld.idx.msk [tilespmem:v57+s2+$0x0], $0xffff;
	vm4 =	vlt.f32 v24, v9;
	v20 =	vsel vm15, v39, v20  }
0x79: {  	v24 =	vsel vm4, v19, v25;
	vm5 =	vlt.f32 v23, v7;
	v19 =	vadd.s32 $0xF, v20  }
0x7a: {  	vm6 =	vlt.f32 v36, v14;
	v51 =	vadd.s32 $0x10, v20;
	v23 =	vadd.s32 $0xF, v24  }
0x7b: {  	v25 =	vsel vm5, v29, v30;
	v29 =	vsel vm6, $0x200, v2;
	vm7 =	vlt.f32 v36, v12  }
0x7c: {  	v26 =	vld.idx.msk [tilespmem:v22+s2+$0x0], $0xffff;
	v30 =	vadd.s32 $0xF, v25;
	vm8 =	vlt.f32 v36, v11;
	v40 =	vor.u32 $0xFF, v29  }
0x7d: {  	v58 =	vsel vm7, $0x200, v2;
	vm9 =	vlt.f32 v36, v13;
	vm11 =	vlt.f32 v34, v8  }
0x7e: {  	v41 =	vsel vm8, $0x200, v2;
	v59 =	vor.u32 $0xFF, v58;
	v31 =	vsel vm11, v56, v31;
	v56 =	vld.idx.msk [tilespmem:v37+s2+$0x0], $0xffff  }
0x7f: {  	v61 =	vadd.s32 $0x10, v25;
	v42 =	vsel vm9, $0x200, v2;
	v44 =	vor.u32 $0xFF, v41;
	v45 =	vld.idx.msk [tilespmem:v19+s2+$0x0], $0xffff  }
0x80: {  	s12 =	simm.s32 $0x60;
	v43 =	vor.u32 $0x100, v58;
	v48 =	vor.u32 $0x100, v41;
	v46 =	vor.u32 $0x100, v42;
	v23 =	vld.idx.msk [tilespmem:v23+s2+$0x0], $0xffff  }
0x81: {  	v47 =	vor.u32 $0xFF, v42;
	v19 =	vor.u32 s12, v0;
	vm10 =	vlt.f32 v26, v18;
	v26 =	vld.idx.msk [tilespmem:v30+s2+$0x0], $0xffff  }
0x82: {  	v63 =	vadd.s32 $0x10, v31;
	v49 =	vadd.s32 $0xF, v31;
	v40 =	vld.idx.msk [tilespmem:v40+s2+$0x0], $0xffff;
	v60 =	vsel vm10, $0x1, v2  }
0x83: {  	v18 =	vor.u32 s12, v6;
	v30 =	vadd.s32 $0x10, v24;
	v22 =	vadd.s32 v60, v22;
	v62 =	vld.idx.msk [tilespmem:v59+s2+$0x0], $0xffff  }
0x84: {  	s14 =	simm.s32 $0x0;
	v44 =	vld.idx.msk [tilespmem:v44+s2+$0x0], $0xffff;
	vm2 =	vlt.f32 v56, v15;
	v50 =	vshrl.u32 v22, $0x5;
	vm12 =	vlt.f32 v45, v10  }
0x85: {  	v45 =	vand.u32 $0x1F, v22;
	v22 =	vor.u32 s14, v0;
	vm13 =	vlt.f32 v23, v9  }
0x86: {  	v47 =	vld.idx.msk [tilespmem:v47+s2+$0x0], $0xffff;
	v20 =	vsel vm12, v51, v20;
	v23 =	vsel vm13, v30, v24;
	vm14 =	vlt.f32 v26, v7  }
0x87: {  	v57 =	vld.idx.msk [tilespmem:v49+s2+$0x0], $0xffff;
	v24 =	vadd.s32 $0x7, v20;
	v30 =	vor.u32 $0x100, v29;
	vm15 =	vlt.f32 v40, v14  }
0x88: {  	v25 =	vsel vm14, v61, v25;
	v29 =	vsel vm15, v30, v29;
	v30 =	vadd.s32 $0x7, v23  }
0x89: {  	v59 =	vld.idx.msk [tilespmem:v21+s2+$0x0], $0xffff;
	vm4 =	vlt.f32 v62, v12;
	vm5 =	vlt.f32 v44, v11;
	v62 =	vadd.s32 $0x8, v23  }
0x8a: {  	v26 =	vld.idx.msk [tilespmem:v38+s2+$0x0], $0xffff;
	v51 =	vadd.s32 $0x8, v25;
	v37 =	vsel vm4, v43, v58;
	v58 =	vor.u32 $0x7F, v29  }
0x8b: {  	vm6 =	vlt.f32 v47, v13;
	v40 =	vsel vm5, v48, v41;
	v39 =	vor.u32 $0x7F, v37  }
0x8c: {  	vm7 =	vlt.f32 v57, v8;
	v42 =	vsel vm6, v46, v42;
	v60 =	vor.u32 $0x7F, v40;
	v24 =	vld.idx.msk [tilespmem:v24+s2+$0x0], $0xffff  }
0x8d: {  	v52 =	vadd.s32 $0x7, v25;
	v31 =	vsel vm7, v63, v31;
	v61 =	vor.u32 $0x7F, v42  }
0x8e: {  	vm9 =	vlt.f32 v59, v17;
	v17 =	vadd.s32 $0x8, v20;
	v54 =	vadd.s32 $0x7, v31;
	v30 =	vld.idx.msk [tilespmem:v30+s2+$0x0], $0xffff  }
0x8f: {  	v41 =	vor.u32 s14, v3;
	v57 =	vor.u32 $0x80, v29;
	vm8 =	vlt.f32 v26, v16;
	v26 =	vld.idx.msk [tilespmem:v58+s2+$0x0], $0xffff  }
0x90: {  	v43 =	vor.u32 $0x80, v37;
	v27 =	vsel vm8, v27, v28;
	v28 =	vsel vm2, v35, v32;
	v63 =	vld.idx.msk [tilespmem:v39+s2+$0x0], $0xffff  }
0x91: {  	v48 =	vor.u32 $0x80, v40;
	v46 =	vor.u32 $0x80, v42;
	v55 =	vld.idx.msk [tilespmem:v60+s2+$0x0], $0xffff;
	vm10 =	vlt.f32 v24, v10  }
0x92: {  	v53 =	vadd.s32 $0x8, v31;
	v24 =	vsel vm9, $0x1, v2;
	v56 =	vld.idx.msk [tilespmem:v61+s2+$0x0], $0xffff;
	v20 =	vsel vm10, v17, v20  }
0x93: {  	v34 =	vld.idx.msk [tilespmem:v54+s2+$0x0], $0xffff;
	v21 =	vadd.s32 v24, v21;
	vm11 =	vlt.f32 v30, v9;
	v24 =	vadd.s32 $0x3, v20  }
0x94: {  	v30 =	vld.idx.msk [tilespmem:v52+s2+$0x0], $0xffff;
	v17 =	vshrl.u32 v21, $0x5;
	v21 =	vand.u32 $0x1F, v21;
	vm12 =	vlt.f32 v26, v14  }
0x95: {  	v61 =	vld.idx.msk [tilespmem:v28+s2+$0x0], $0xffff;
	v26 =	vsel vm11, v62, v23;
	vm13 =	vlt.f32 v63, v12;
	v29 =	vsel vm12, v57, v29  }
0x96: {  	v23 =	vld.idx.msk [tilespmem:v27+s2+$0x0], $0xffff;
	v58 =	vadd.s32 $0x3, v26;
	vm14 =	vlt.f32 v55, v11;
	v63 =	vadd.s32 $0x4, v26  }
0x97: {  	v37 =	vsel vm13, v43, v37;
	v59 =	vor.u32 $0x3F, v29;
	vm15 =	vlt.f32 v56, v13  }
0x98: {  	v38 =	vsel vm14, v48, v40;
	vm6 =	vlt.f32 v34, v8;
	v60 =	vor.u32 $0x3F, v37  }
0x99: {  	v40 =	vsel vm15, v46, v42;
	v42 =	vor.u32 $0x40, v37;
	v62 =	vor.u32 $0x3F, v38  }
0x9a: {  	v47 =	vor.u32 $0x40, v38;
	vm4 =	vlt.f32 v30, v7;
	v49 =	vsel vm6, v53, v31;
	v24 =	vld.idx.msk [tilespmem:v24+s2+$0x0], $0xffff  }
0x9b: {  	vm7 =	vlt.f32 v61, v15;
	v46 =	vor.u32 $0x3F, v40;
	vm5 =	vlt.f32 v23, v16;
	v16 =	vld.idx.msk [tilespmem:v58+s2+$0x0], $0xffff  }
0x9c: {  	v44 =	vor.u32 $0x40, v40;
	v34 =	vsel vm4, v51, v25;
	v33 =	vadd.s32 $0x3, v49;
	v30 =	vld.idx.msk [tilespmem:v59+s2+$0x0], $0xffff  }
0x9d: {  	v57 =	vadd.s32 $0x4, v49;
	v51 =	vadd.s32 $0x4, v34;
	v25 =	vsel vm5, $0x1, v2;
	v56 =	vld.idx.msk [tilespmem:v60+s2+$0x0], $0xffff  }
0x9e: {  	v31 =	vadd.s32 $0x3, v34;
	v23 =	vadd.s32 $0x4, v20;
	v59 =	vadd.s32 v25, v27;
	v15 =	vld.idx.msk [tilespmem:v62+s2+$0x0], $0xffff  }
0x9f: {  	v25 =	vor.u32 $0x40, v29;
	vm8 =	vlt.f32 v24, v10;
	v24 =	vsel vm7, $0x1, v2  }
0xa0: {  	v58 =	vld.idx.msk [tilespmem:v46+s2+$0x0], $0xffff;
	v23 =	vsel vm8, v23, v20;
	v20 =	vadd.s32 v24, v28;
	vm9 =	vlt.f32 v16, v9  }
0xa1: {  	v62 =	vld.idx.msk [tilespmem:v33+s2+$0x0], $0xffff;
	v16 =	vadd.s32 $0x1, v23;
	vm10 =	vlt.f32 v30, v14;
	v24 =	vsel vm9, v63, v26  }
0xa2: {  	vm11 =	vlt.f32 v56, v12;
	v32 =	vsel vm10, v25, v29;
	v29 =	vadd.s32 $0x1, v24  }
0xa3: {  	v61 =	vld.idx.msk [tilespmem:v31+s2+$0x0], $0xffff;
	vm12 =	vlt.f32 v15, v11;
	v31 =	vsel vm11, v42, v37;
	v15 =	vadd.s32 $0x1F, v32  }
0xa4: {  	[tilespmem:v19+s10+$0x0] =	vst.idx.msk $0xffff, v50;
	v60 =	vshrl.u32 v59, $0x5;
	v33 =	vsel vm12, v47, v38;
	v42 =	vadd.s32 $0x1F, v31  }
0xa5: {  	v19 =	vand.u32 $0x1F, v59;
	[tilespmem:v22+s10+$0x0] =	vst.idx.msk $0xffff, v60;
	v22 =	vshrl.u32 v20, $0x5;
	v63 =	vadd.s32 $0x1F, v33  }
0xa6: {  	v28 =	vadd.s32 $0x2, v24;
	vm13 =	vlt.f32 v58, v13;
	vm15 =	vlt.f32 v62, v8;
	v27 =	vld.idx.msk [tilespmem:v16+s2+$0x0], $0xffff  }
0xa7: {  	[tilespmem:v18+s10+$0x0] =	vst.idx.msk $0xffff, v45;
	v25 =	vsel vm13, v44, v40;
	v35 =	vadd.s32 $0x20, v31;
	v36 =	vadd.s32 $0x20, v33;
	v30 =	vld.idx.msk [tilespmem:v29+s2+$0x0], $0xffff  }
0xa8: {  	vm14 =	vlt.f32 v61, v7;
	v18 =	vsel vm15, v57, v49;
	v26 =	vadd.s32 $0x20, v25;
	v38 =	vld.idx.msk [tilespmem:v15+s2+$0x0], $0xffff  }
0xa9: {  	[tilespmem:v41+s10+$0x0] =	vst.idx.msk $0xffff, v19;
	v37 =	vadd.s32 $0x1F, v25;
	v19 =	vadd.s32 $0x2, v18;
	v15 =	vsel vm14, v51, v34;
	v39 =	vld.idx.msk [tilespmem:v42+s2+$0x0], $0xffff  }
0xaa: {  	s16 =	simm.s32 $0x8;
	s15 =	simm.s32 $0x20;
	s14 =	simm.s32 $0x40;
	v34 =	vadd.s32 $0x1, v18;
	v16 =	vadd.s32 $0x2, v15;
	v29 =	vadd.s32 $0x1, v15;
	v40 =	vld.idx.msk [tilespmem:v63+s2+$0x0], $0xffff  }
.LBB2_2:
0xab: {  	v41 =	vld.idx.msk [tilespmem:v1+s2+$0x0], $0xffff;
	s13 =	sadd.s32 $0x40, s13;
	v42 =	vadd.s32 $0x2, v23;
	vm0 =	vlt.f32 v27, v10;
	v43 =	vand.u32 $0x1F, v20  }
0xac: {  	s16 =	sadd.s32 $0x4, s16;
	v45 =	vor.u32 s15, v0;
	v46 =	vor.u32 s15, v4;
	v44 =	vld [tilespmem:s13+$0x10];
	v42 =	vsel vm0, v42, v23  }
0xad: {  	v47 =	vor.u32 s14, v5;
	p0 =	slt.u32 s16, $0x3C;
	vm0 =	vlt.f32 v30, v9;
	v30 =	vor.u32 s14, v0;
	v27 =	vld [tilespmem:s13+$0xFFFFFFF0]  }
0xae: {  	v48 =	vadd.s32 $0x20, v32;
	vm1 =	vlt.f32 v38, v14;
	v24 =	vsel vm0, v28, v24;
	v20 =	vld [tilespmem:s13+$0x0]  }
0xaf: {  	vm0 =	vlt.f32 v39, v12;
	v28 =	vsel vm1, v48, v32;
	v23 =	vld [tilespmem:s13+$0xFFFFFFE0]  }
0xb0: {  	v31 =	vsel vm0, v35, v31;
	vm0 =	vlt.f32 v40, v11;
	v35 =	vadd.s32 $0xF, v28;
	v32 =	vld.idx.msk [tilespmem:v37+s2+$0x0], $0xffff  }
0xb1: {  	v37 =	vadd.s32 $0xF, v31;
	v33 =	vsel vm0, v36, v33;
	vm1 =	vlt.f32 v41, v44;
	v36 =	vld.idx.msk [tilespmem:v42+s2+$0x0], $0xffff  }
0xb2: {  	v39 =	vadd.s32 $0xF, v33;
	vm0 =	vlt.f32 v41, v27;
	v38 =	vsel vm1, $0x200, v2;
	v34 =	vld.idx.msk [tilespmem:v34+s2+$0x0], $0xffff;
	[tilespmem:v45+s10+$0x0] =	vst.idx.msk $0xffff, v17  }
0xb3: {  	v17 =	vsel vm0, $0x200, v2;
	vm0 =	vlt.f32 v41, v20;
	v40 =	vor.u32 $0xFF, v38;
	v29 =	vld.idx.msk [tilespmem:v29+s2+$0x0], $0xffff;
	[tilespmem:v46+s10+$0x0] =	vst.idx.msk $0xffff, v21  }
0xb4: {  	vm1 =	vlt.f32 v41, v23;
	v21 =	vor.u32 $0xFF, v17;
	v41 =	vsel vm0, $0x200, v2;
	v45 =	vld.idx.msk [tilespmem:v24+s2+$0x0], $0xffff;
	[tilespmem:v30+s10+$0x0] =	vst.idx.msk $0xffff, v22  }
0xb5: {  	s12 =	sadd.s32 $0x80, s12;
	v30 =	vor.u32 $0x100, v17;
	v22 =	vsel vm1, $0x200, v2;
	v46 =	vor.u32 $0xFF, v41;
	v35 =	vld.idx.msk [tilespmem:v35+s2+$0x0], $0xffff;
	[tilespmem:v47+s10+$0x0] =	vst.idx.msk $0xffff, v43  }
0xb6: {  	s17 =	sadd.s32 $0xFFFFFFA0, s12;
	s15 =	sadd.s32 $0xFFFFFFC0, s12;
	s14 =	sadd.s32 $0xFFFFFFE0, s12;
	v48 =	vor.u32 s12, v0;
	v43 =	vor.u32 $0x100, v22;
	v47 =	vor.u32 $0xFF, v22;
	v37 =	vld.idx.msk [tilespmem:v37+s2+$0x0], $0xffff  }
0xb7: {  	v49 =	vor.u32 $0x100, v41;
	vm0 =	vlt.f32 v36, v10;
	v36 =	vor.u32 s12, v6;
	v10 =	vmovc v14;
	v14 =	vmovc v44;
	v39 =	vld.idx.msk [tilespmem:v39+s2+$0x0], $0xffff  }
0xb8: {  	vm1 =	vlt.f32 v32, v13;
	v32 =	vadd.s32 $0x10, v31;
	v44 =	vsel vm0, $0x1, v2;
	v40 =	vld.idx.msk [tilespmem:v40+s2+$0x0], $0xffff  }
0xb9: {  	v25 =	vsel vm1, v26, v25;
	v26 =	vadd.s32 $0x10, v33;
	v50 =	vld.idx.msk [tilespmem:v21+s2+$0x0], $0xffff;
	v21 =	vadd.s32 v44, v42  }
0xba: {  	v44 =	vadd.s32 $0x10, v25;
	v42 =	vld.idx.msk [tilespmem:v46+s2+$0x0], $0xffff;
	v46 =	vadd.s32 $0xF, v25;
	v51 =	vshrl.u32 v21, $0x5  }
0xbb: {  	v52 =	vadd.s32 $0x10, v28;
	vm0 =	vlt.f32 v35, v10;
	v35 =	vand.u32 $0x1F, v21;
	v47 =	vld.idx.msk [tilespmem:v47+s2+$0x0], $0xffff;
	[tilespmem:v48+s10+$0x0] =	vst.idx.msk $0xffff, v51  }
0xbc: {  	v21 =	vor.u32 s17, v0;
	vm1 =	vlt.f32 v37, v12;
	v28 =	vsel vm0, v52, v28;
	[tilespmem:v36+s10+$0x0] =	vst.idx.msk $0xffff, v35  }
0xbd: {  	v31 =	vsel vm1, v32, v31;
	vm0 =	vlt.f32 v39, v11;
	v32 =	vadd.s32 $0x7, v28  }
0xbe: {  	v35 =	vor.u32 $0x100, v38;
	vm1 =	vlt.f32 v40, v14;
	v26 =	vsel vm0, v26, v33  }
0xbf: {  	v36 =	vadd.s32 $0x7, v31;
	vm0 =	vlt.f32 v50, v27;
	v33 =	vsel vm1, v35, v38;
	v35 =	vld.idx.msk [tilespmem:v46+s2+$0x0], $0xffff  }
0xc0: {  	v30 =	vsel vm0, v30, v17;
	vm0 =	vlt.f32 v42, v20;
	v17 =	vor.u32 $0x7F, v33  }
0xc1: {  	vm1 =	vlt.f32 v47, v23;
	v37 =	vor.u32 $0x7F, v30;
	v38 =	vsel vm0, v49, v41  }
0xc2: {  	v39 =	vor.u32 $0x80, v30;
	v22 =	vsel vm1, v43, v22;
	v40 =	vor.u32 $0x7F, v38;
	v32 =	vld.idx.msk [tilespmem:v32+s2+$0x0], $0xffff  }
0xc3: {  	v43 =	vor.u32 $0x80, v38;
	v41 =	vor.u32 $0x80, v22;
	v42 =	vor.u32 $0x7F, v22  }
0xc4: {  	v48 =	vadd.s32 $0x7, v26;
	v46 =	vadd.s32 $0x8, v31;
	v47 =	vadd.s32 $0x8, v26;
	v36 =	vld.idx.msk [tilespmem:v36+s2+$0x0], $0xffff  }
0xc5: {  	vm2 =	vlt.f32 v29, v7;
	vm1 =	vlt.f32 v34, v8;
	vm0 =	vlt.f32 v35, v13;
	v49 =	vld.idx.msk [tilespmem:v17+s2+$0x0], $0xffff  }
0xc6: {  	v15 =	vsel vm2, v16, v15;
	v18 =	vsel vm1, v19, v18;
	v25 =	vsel vm0, v44, v25;
	v29 =	vld.idx.msk [tilespmem:v37+s2+$0x0], $0xffff  }
0xc7: {  	vm0 =	vlt.f32 v45, v9;
	v9 =	vmovc v12;
	v12 =	vmovc v27;
	v19 =	vadd.s32 $0x8, v25;
	v34 =	vadd.s32 $0x7, v25;
	v16 =	vld.idx.msk [tilespmem:v40+s2+$0x0], $0xffff  }
0xc8: {  	v17 =	vadd.s32 $0x8, v28;
	vm1 =	vlt.f32 v32, v10;
	v32 =	vsel vm0, $0x1, v2;
	v27 =	vld.idx.msk [tilespmem:v42+s2+$0x0], $0xffff  }
0xc9: {  	v40 =	vor.u32 s17, v3;
	v28 =	vsel vm1, v17, v28;
	v42 =	vadd.s32 v32, v24;
	v35 =	vld.idx.msk [tilespmem:v48+s2+$0x0], $0xffff  }
0xca: {  	vm0 =	vlt.f32 v36, v9;
	v24 =	vadd.s32 $0x3, v28;
	v17 =	vshrl.u32 v42, $0x5  }
0xcb: {  	v32 =	vor.u32 $0x80, v33;
	vm1 =	vlt.f32 v49, v14;
	v31 =	vsel vm0, v46, v31;
	v36 =	vld.idx.msk [tilespmem:v18+s2+$0x0], $0xffff  }
0xcc: {  	vm0 =	vlt.f32 v29, v12;
	v29 =	vsel vm1, v32, v33;
	v33 =	vadd.s32 $0x3, v31;
	v32 =	vld.idx.msk [tilespmem:v34+s2+$0x0], $0xffff  }
0xcd: {  	v30 =	vsel vm0, v39, v30;
	vm0 =	vlt.f32 v16, v20;
	v16 =	vor.u32 $0x3F, v29;
	v34 =	vld.idx.msk [tilespmem:v15+s2+$0x0], $0xffff  }
0xce: {  	vm1 =	vlt.f32 v27, v23;
	v27 =	vor.u32 $0x3F, v30;
	v37 =	vsel vm0, v43, v38  }
0xcf: {  	v38 =	vor.u32 $0x40, v30;
	v22 =	vsel vm1, v41, v22;
	v39 =	vor.u32 $0x3F, v37;
	v24 =	vld.idx.msk [tilespmem:v24+s2+$0x0], $0xffff  }
0xd0: {  	v44 =	vor.u32 $0x40, v37;
	v41 =	vor.u32 $0x40, v22;
	v43 =	vor.u32 $0x3F, v22  }
0xd1: {  	v45 =	vadd.s32 $0x4, v31;
	vm0 =	vlt.f32 v35, v11;
	vm1 =	vlt.f32 v36, v8;
	v8 =	vmovc v13;
	v33 =	vld.idx.msk [tilespmem:v33+s2+$0x0], $0xffff  }
0xd2: {  	v46 =	vsel vm0, v47, v26;
	v13 =	vmovc v23;
	vm2 =	vlt.f32 v32, v8;
	v26 =	vsel vm1, $0x1, v2;
	v16 =	vld.idx.msk [tilespmem:v16+s2+$0x0], $0xffff  }
0xd3: {  	v47 =	vadd.s32 $0x4, v46;
	v19 =	vsel vm2, v19, v25;
	v25 =	vadd.s32 $0x3, v46;
	v27 =	vld.idx.msk [tilespmem:v27+s2+$0x0], $0xffff  }
0xd4: {  	vm0 =	vlt.f32 v34, v7;
	v7 =	vmovc v11;
	v11 =	vmovc v20;
	v48 =	vadd.s32 $0x4, v19;
	v36 =	vadd.s32 $0x3, v19;
	v35 =	vld.idx.msk [tilespmem:v39+s2+$0x0], $0xffff  }
0xd5: {  	v20 =	vadd.s32 $0x4, v28;
	vm1 =	vlt.f32 v24, v10;
	v24 =	vsel vm0, $0x1, v2;
	v34 =	vld.idx.msk [tilespmem:v43+s2+$0x0], $0xffff  }
0xd6: {  	v18 =	vadd.s32 v26, v18;
	v23 =	vsel vm1, v20, v28;
	v20 =	vadd.s32 v24, v15  }
0xd7: {  	v26 =	vshrl.u32 v18, $0x5;
	vm0 =	vlt.f32 v33, v9;
	v15 =	vadd.s32 $0x1, v23  }
0xd8: {  	v28 =	vor.u32 $0x40, v29;
	vm1 =	vlt.f32 v16, v14;
	v24 =	vsel vm0, v45, v31;
	v16 =	vld.idx.msk [tilespmem:v25+s2+$0x0], $0xffff  }
0xd9: {  	vm0 =	vlt.f32 v27, v12;
	v32 =	vsel vm1, v28, v29;
	v39 =	vadd.s32 $0x1, v24;
	v29 =	vld.idx.msk [tilespmem:v36+s2+$0x0], $0xffff  }
0xda: {  	v31 =	vsel vm0, v38, v30;
	vm0 =	vlt.f32 v35, v11;
	v38 =	vadd.s32 $0x1F, v32;
	[tilespmem:v21+s10+$0x0] =	vst.idx.msk $0xffff, v26  }
0xdb: {  	vm1 =	vlt.f32 v34, v13;
	v34 =	vadd.s32 $0x1F, v31;
	v33 =	vsel vm0, v44, v37  }
0xdc: {  	v35 =	vadd.s32 $0x20, v31;
	v25 =	vsel vm1, v41, v22;
	v22 =	vadd.s32 $0x1F, v33;
	v27 =	vld.idx.msk [tilespmem:v15+s2+$0x0], $0xffff  }
.Ltmp0:
0xdd: {  	v36 =	vadd.s32 $0x20, v33;
	v26 =	vadd.s32 $0x20, v25;
	v37 =	vadd.s32 $0x1F, v25;
	(pc) =	sbr.rel @p0 .LBB2_2-.Ltmp0, $4  }
0xde: {  	v28 =	vadd.s32 $0x2, v24;
	v41 =	vand.u32 $0x1F, v18;
	vm0 =	vlt.f32 v16, v7;
	v30 =	vld.idx.msk [tilespmem:v39+s2+$0x0], $0xffff  }
0xdf: {  	v21 =	vand.u32 $0x1F, v42;
	vm1 =	vlt.f32 v29, v8;
	v15 =	vsel vm0, v47, v46;
	v38 =	vld.idx.msk [tilespmem:v38+s2+$0x0], $0xffff  }
0xe0: {  	v18 =	vsel vm1, v48, v19;
	v16 =	vadd.s32 $0x2, v15;
	v29 =	vadd.s32 $0x1, v15;
	v39 =	vld.idx.msk [tilespmem:v34+s2+$0x0], $0xffff;
	[tilespmem:v40+s10+$0x0] =	vst.idx.msk $0xffff, v41  }
0xe1: {  	v19 =	vadd.s32 $0x2, v18;
	v34 =	vadd.s32 $0x1, v18;
	v40 =	vld.idx.msk [tilespmem:v22+s2+$0x0], $0xffff;
	v22 =	vshrl.u32 v20, $0x5  }
0xe2: {  	_ =	sdelay $0x3  }
0xe3: {  	v37 =	vld.idx.msk [tilespmem:v37+s2+$0x0], $0xffff;
	_ =	sdelay $0x2  }
0xe4: {  	v41 =	vadd.s32 $0x20, v32;
	vm0 =	vlt.f32 v38, v14  }
0xe5: {  	v32 =	vsel vm0, v41, v32  }
0xe6: {  	v41 =	vadd.s32 $0xF, v32;
	vm11 =	vlt.f32 v37, v13  }
0xe7: {  	vm1 =	vlt.f32 v39, v12;
	v25 =	vsel vm11, v26, v25  }
0xe8: {  	v42 =	vsel vm1, v35, v31;
	v43 =	vadd.s32 $0xF, v25  }
0xe9: {  	v35 =	vadd.s32 $0xF, v42  }
0xea: {  	vm12 =	vlt.f32 v40, v11  }
0xeb: {  	v33 =	vsel vm12, v36, v33;
	v44 =	vld.idx.msk [tilespmem:v41+s2+$0x0], $0xffff  }
0xec: {  	v36 =	vadd.s32 $0xF, v33  }
0xed: {  	v31 =	vld.idx.msk [tilespmem:v43+s2+$0x0], $0xffff  }
0xee: {  	v35 =	vld.idx.msk [tilespmem:v35+s2+$0x0], $0xffff;
	_ =	sdelay $0x1  }
0xef: {  	v45 =	vadd.s32 $0x10, v32;
	vm13 =	vlt.f32 v44, v14  }
0xf0: {  	v36 =	vld.idx.msk [tilespmem:v36+s2+$0x0], $0xffff;
	v32 =	vsel vm13, v45, v32  }
0xf1: {  	v47 =	vadd.s32 $0x10, v25;
	v46 =	vadd.s32 $0x7, v32;
	vm14 =	vlt.f32 v31, v13  }
0xf2: {  	v48 =	vadd.s32 $0x10, v42;
	vm15 =	vlt.f32 v35, v12;
	v25 =	vsel vm14, v47, v25  }
0xf3: {  	v26 =	vsel vm15, v48, v42;
	v49 =	vadd.s32 $0x7, v25  }
0xf4: {  	v50 =	vadd.s32 $0x7, v26  }
0xf5: {  	v51 =	vadd.s32 $0x10, v33;
	vm4 =	vlt.f32 v36, v11  }
0xf6: {  	v33 =	vsel vm4, v51, v33;
	v37 =	vld.idx.msk [tilespmem:v46+s2+$0x0], $0xffff  }
0xf7: {  	v52 =	vadd.s32 $0x7, v33  }
0xf8: {  	v31 =	vld.idx.msk [tilespmem:v49+s2+$0x0], $0xffff  }
0xf9: {  	v35 =	vld.idx.msk [tilespmem:v50+s2+$0x0], $0xffff;
	_ =	sdelay $0x1  }
0xfa: {  	v53 =	vadd.s32 $0x8, v32;
	vm5 =	vlt.f32 v37, v14  }
0xfb: {  	v36 =	vld.idx.msk [tilespmem:v52+s2+$0x0], $0xffff;
	v32 =	vsel vm5, v53, v32  }
0xfc: {  	v55 =	vadd.s32 $0x8, v25;
	v54 =	vadd.s32 $0x3, v32;
	vm6 =	vlt.f32 v31, v13  }
0xfd: {  	v56 =	vadd.s32 $0x8, v26;
	vm7 =	vlt.f32 v35, v12;
	v25 =	vsel vm6, v55, v25  }
0xfe: {  	v26 =	vsel vm7, v56, v26;
	v57 =	vadd.s32 $0x3, v25  }
0xff: {  	v34 =	vld.idx.msk [tilespmem:v34+s2+$0x0], $0xffff;
	v58 =	vadd.s32 $0x3, v26  }
0x100: {  	v29 =	vld.idx.msk [tilespmem:v29+s2+$0x0], $0xffff;
	v59 =	vadd.s32 $0x8, v33;
	vm8 =	vlt.f32 v36, v11  }
0x101: {  	v33 =	vsel vm8, v59, v33;
	v37 =	vld.idx.msk [tilespmem:v54+s2+$0x0], $0xffff  }
0x102: {  	v60 =	vadd.s32 $0x3, v33  }
0x103: {  	v61 =	vadd.s32 $0x2, v23;
	vm9 =	vlt.f32 v27, v10;
	v31 =	vld.idx.msk [tilespmem:v57+s2+$0x0], $0xffff  }
0x104: {  	v23 =	vsel vm9, v61, v23;
	vm12 =	vlt.f32 v34, v8;
	vm11 =	vlt.f32 v30, v9;
	v62 =	vld.idx.msk [tilespmem:v58+s2+$0x0], $0xffff  }
0x105: {  	v18 =	vsel vm12, v19, v18;
	v24 =	vsel vm11, v28, v24  }
0x106: {  	vm15 =	vlt.f32 v29, v7;
	v63 =	vadd.s32 $0x4, v32;
	vm10 =	vlt.f32 v37, v14  }
0x107: {  	v15 =	vsel vm15, v16, v15;
	v47 =	vor.u32 s15, v0;
	v40 =	vld.idx.msk [tilespmem:v60+s2+$0x0], $0xffff;
	v32 =	vsel vm10, v63, v32  }
0x108: {  	v41 =	vadd.s32 $0x4, v25;
	v39 =	vadd.s32 $0x1, v32;
	vm13 =	vlt.f32 v31, v13  }
0x109: {  	v43 =	vld.idx.msk [tilespmem:v23+s2+$0x0], $0xffff;
	v42 =	vadd.s32 $0x4, v26;
	vm14 =	vlt.f32 v62, v12;
	v19 =	vsel vm13, v41, v25  }
0x10a: {  	v48 =	vld.idx.msk [tilespmem:v24+s2+$0x0], $0xffff;
	v26 =	vsel vm14, v42, v26;
	v44 =	vadd.s32 $0x1, v19  }
0x10b: {  	v51 =	vld.idx.msk [tilespmem:v18+s2+$0x0], $0xffff;
	v45 =	vadd.s32 $0x1, v26  }
0x10c: {  	s12 =	sadd.s32 $0x80, s12;
	v59 =	vld.idx.msk [tilespmem:v15+s2+$0x0], $0xffff;
	v46 =	vadd.s32 $0x4, v33;
	vm4 =	vlt.f32 v40, v11  }
0x10d: {  	v20 =	vand.u32 $0x1F, v20;
	s13 =	sadd.s32 $0xFFFFFFA0, s12;
	v16 =	vsel vm4, v46, v33;
	v30 =	vld.idx.msk [tilespmem:v39+s2+$0x0], $0xffff  }
0x10e: {  	s29 =	sadd.s32 $0xFFFFFFE0, s12;
	v61 =	vor.u32 s13, v0;
	v50 =	vor.u32 s14, v0;
	[tilespmem:v47+s10+$0x0] =	vst.idx.msk $0xffff, v17;
	v52 =	vadd.s32 $0x1, v16  }
0x10f: {  	v47 =	vor.u32 s29, v5;
	v49 =	vor.u32 s15, v4;
	v53 =	vor.u32 s14, v5;
	v55 =	vld.idx.msk [tilespmem:v44+s2+$0x0], $0xffff  }
0x110: {  	vm5 =	vlt.f32 v43, v10;
	vm7 =	vlt.f32 v48, v9;
	v54 =	vor.u32 s12, v0;
	v56 =	vld.idx.msk [tilespmem:v45+s2+$0x0], $0xffff  }
0x111: {  	v58 =	vor.u32 s12, v6;
	vm2 =	vlt.f32 v59, v7;
	v62 =	vor.u32 s13, v3  }
0x112: {  	vm10 =	vlt.f32 v51, v8;
	v57 =	vadd.s32 $0x2, v32;
	vm6 =	vlt.f32 v30, v14  }
0x113: {  	v34 =	vsel vm10, $0x1, v2;
	v31 =	vsel vm7, $0x1, v2;
	v36 =	vld.idx.msk [tilespmem:v52+s2+$0x0], $0xffff;
	v29 =	vsel vm6, v57, v32  }
0x114: {  	v63 =	vadd.s32 v31, v24;
	v28 =	vadd.s32 $0x2, v19;
	vm8 =	vlt.f32 v55, v13  }
0x115: {  	v31 =	vadd.s32 $0x2, v26;
	vm9 =	vlt.f32 v56, v12;
	v19 =	vsel vm8, v28, v19  }
0x116: {  	s28 =	sadd.s32 $0xFFFFFFC0, s12;
	[tilespmem:v50+s10+$0x0] =	vst.idx.msk $0xffff, v22;
	v35 =	vsel vm2, $0x1, v2;
	v18 =	vadd.s32 v34, v18;
	v7 =	vsel vm9, v31, v26  }
0x117: {  	[tilespmem:v49+s10+$0x0] =	vst.idx.msk $0xffff, v21;
	v25 =	vsel vm5, $0x1, v2;
	v40 =	vadd.s32 $0x2, v16;
	v41 =	vor.u32 s28, v0  }
0x118: {  	[tilespmem:v53+s10+$0x0] =	vst.idx.msk $0xffff, v20;
	v43 =	vshrl.u32 v18, $0x5;
	v46 =	vand.u32 $0x1F, v18;
	vm11 =	vlt.f32 v36, v11;
	v8 =	vld.idx.msk [tilespmem:v29+s2+$0x0], $0xffff  }
0x119: {  	s12 =	sadd.s32 $0x80, s12;
	v23 =	vadd.s32 v25, v23;
	[tilespmem:v61+s10+$0x0] =	vst.idx.msk $0xffff, v43;
	v44 =	vor.u32 s29, v0;
	v16 =	vsel vm11, v40, v16  }
0x11a: {  	v49 =	vor.u32 s12, v0;
	v15 =	vadd.s32 v35, v15;
	v60 =	vshrl.u32 v23, $0x5;
	[tilespmem:v62+s10+$0x0] =	vst.idx.msk $0xffff, v46;
	v45 =	vld.idx.msk [tilespmem:v19+s2+$0x0], $0xffff  }
0x11b: {  	v50 =	vshrl.u32 v15, $0x5;
	v42 =	vor.u32 s28, v4;
	v23 =	vand.u32 $0x1F, v23;
	[tilespmem:v54+s10+$0x0] =	vst.idx.msk $0xffff, v60;
	v48 =	vld.idx.msk [tilespmem:v7+s2+$0x0], $0xffff  }
0x11c: {  	s30 =	sadd.s32 $0xFFFFFFA0, s12;
	s31 =	sadd.s32 $0xFFFFFFC0, s12;
	v15 =	vand.u32 $0x1F, v15;
	v51 =	vor.u32 s12, v6;
	v33 =	vshrl.u32 v63, $0x5;
	[tilespmem:v58+s10+$0x0] =	vst.idx.msk $0xffff, v23  }
0x11d: {  	v54 =	vor.u32 s30, v3;
	v58 =	vor.u32 s31, v4;
	[tilespmem:v41+s10+$0x0] =	vst.idx.msk $0xffff, v33;
	vm12 =	vlt.f32 v8, v14  }
0x11e: {  	v52 =	vor.u32 s30, v0;
	v56 =	vor.u32 s31, v0;
	[tilespmem:v44+s10+$0x0] =	vst.idx.msk $0xffff, v50;
	v53 =	vld.idx.msk [tilespmem:v16+s2+$0x0], $0xffff;
	v14 =	vsel vm12, $0x1, v2  }
0x11f: {  	[tilespmem:v47+s10+$0x0] =	vst.idx.msk $0xffff, v15;
	v8 =	vand.u32 $0x1F, v63;
	v14 =	vadd.s32 v14, v29;
	vm13 =	vlt.f32 v45, v13  }
0x120: {  	[tilespmem:v42+s10+$0x0] =	vst.idx.msk $0xffff, v8;
	vm14 =	vlt.f32 v48, v12;
	v8 =	vshrl.u32 v14, $0x5;
	v55 =	vsel vm13, $0x1, v2  }
0x121: {  	s12 =	sadd.s32 $0xFFFFFFE0, s12;
	v14 =	vand.u32 $0x1F, v14;
	[tilespmem:v49+s10+$0x0] =	vst.idx.msk $0xffff, v8;
	v8 =	vsel vm14, $0x1, v2;
	v57 =	vadd.s32 v55, v19  }
0x122: {  	v59 =	vor.u32 s12, v0;
	[tilespmem:v51+s10+$0x0] =	vst.idx.msk $0xffff, v14;
	v7 =	vadd.s32 v8, v7;
	v8 =	vshrl.u32 v57, $0x5  }
0x123: {  	v60 =	vor.u32 s12, v5;
	vm15 =	vlt.f32 v53, v11;
	v61 =	vshrl.u32 v7, $0x5;
	[tilespmem:v52+s10+$0x0] =	vst.idx.msk $0xffff, v8  }
0x124: {  	v62 =	vsel vm15, $0x1, v2;
	v8 =	vand.u32 $0x1F, v57;
	[tilespmem:v56+s10+$0x0] =	vst.idx.msk $0xffff, v61  }
0x125: {  	v7 =	vand.u32 $0x1F, v7;
	[tilespmem:v54+s10+$0x0] =	vst.idx.msk $0xffff, v8;
	v8 =	vadd.s32 v62, v16  }
0x126: {  	s11 =	sadd.s32 $0x1, s11;
	[tilespmem:v58+s10+$0x0] =	vst.idx.msk $0xffff, v7;
	v63 =	vshrl.u32 v8, $0x5  }
0x127: {  	p0 =	sne.s32 s11, s6;
	v7 =	vand.u32 $0x1F, v8;
	[tilespmem:v59+s10+$0x0] =	vst.idx.msk $0xffff, v63  }
.Ltmp1:
0x128: {  	[tilespmem:v60+s10+$0x0] =	vst.idx.msk $0xffff, v7;
	(pc) =	sbr.rel @p0 .LBB2_1-.Ltmp1, $4  }
0x129: {  	[hbm4b:s5+s7] =	stream.strided.scatter [tilespmem:s10], [sflag:$0x1], $0x800, s8, s7, $0x38;
	[tilespmem:$0x1000] =	vst v63  }
0x12a: {  	_ =	swait.ge [sflag:s9], $0x800  }
0x12b: {  	[sflag:s9] =	ssyncset.done $0x0  }
0x12c: {  	[sflag:s9] =	ssyncadd.s32 $0xFFFFF800  }
0x12d: {  	_ =	sfence.sel $0x180000  }
0x12e: {  	[bflag:$0x0] =	sbarrier.arrive $0xFFFF  }
0x12f: {  	p0 =	sne.s32 s1, $0x0;
	_ =	strace $0x90000047  }
0x130: {  	s0 =	sadd.s32 @!p0 $0x100000, s0;
	[bflag:$0x2] =	sbarrier.arrive $0xFFFF  }
0x131: {  	[sflag:s0] =	ssyncadd.tile.s32 @!p0 $0x1;
	_ =	shalt  }
.Lfunc_end2:
_tile_overlayer_lowered:
.L_overlay_start_2:
0x132: {  	(tag) =	ssettag $0x2  }
0x133: {  	s0 =	rddreg [dreg:$0x0];
	s2 =	stileid.u32  }
0x134: {  	s1 =	rddreg [dreg:$0x1];
	p0 =	sne.s32 s2, $0x0  }
0x135: {  	s3 =	rddreg [dreg:$0x2];
	[bflag:$0x3] =	sbarrier.arrive $0xFFFF;
	s2 =	simm.s32 @!p0 $0x1C01  }
0x136: {  	[timem:s3], [sflag:s2] =	dma.local @!p0 [hbm:s0], s1  }
0x137: {  	s0 =	simm.s32 @!p0 $0x1  }
0x138: {  	_ =	swait.ge @!p0 [sflag:s0], s1  }
0x139: {  	s1 =	ssub.s32 @!p0 $0x0, s1;
	[sflag:s0] =	ssyncset.done @!p0 $0x0  }
0x13a: {  	[sflag:s0] =	ssyncadd.s32 @!p0 s1  }
0x13b: {  	[bflag:$0x3] =	sbarrier.arrive $0xFFFF  }
0x13c: {  	_ =	shalt  }

</sc_bundles>
